<compile_context>
chip_gen: v7x
topology: tpu7x:2x2x1
jax: 0.10.2.dev20260603
libtpu: 0.0.44.dev20260713+nightly
codegen_flags: <defaults>
</compile_context>

<pallas_src>
import functools

import jax
import jax.numpy as jnp
from jax import lax
from jax.experimental import pallas as pl
from jax.experimental.pallas import tpu as pltpu
from jax.experimental.pallas import tpu_sc as plsc

B = 4096
L = 20
D = 32
H1 = 256
OUT = 64

NW = 32
BPW = B // NW
GPW = BPW * L
GCH = 128
NCH = GPW // GCH

_MESH = plsc.VectorSubcoreMesh(core_axis_name="c", subcore_axis_name="s")


def _sc_genre_sum(genre_ids_flat, genre_table):
    @functools.partial(
        pl.kernel,
        mesh=_MESH,
        out_type=jax.ShapeDtypeStruct((B, 128), jnp.float32),
        scratch_types=[
            pltpu.VMEM((GPW,), jnp.int32),
            pltpu.VMEM((GPW, D), jnp.float32),
            pltpu.VMEM((BPW, D), jnp.float32),
            pltpu.SemaphoreType.DMA,
        ],
        compiler_params=pltpu.CompilerParams(use_tc_tiling_on_sc=False),
    )
    def genre_kernel(gids_hbm, gtab_hbm, out_hbm, gidx, grows, gsum, sem):
        wid = lax.axis_index("s") * 2 + lax.axis_index("c")
        base = wid * BPW
        pltpu.sync_copy(gids_hbm.at[pl.ds(base * L, GPW)], gidx)
        copies = []
        for j in range(NCH):
            copies.append(
                pltpu.async_copy(
                    gtab_hbm.at[gidx.at[pl.ds(j * GCH, GCH)]],
                    grows.at[pl.ds(j * GCH, GCH)],
                    sem,
                )
            )
        for cp in copies:
            cp.wait()

        def body(b, carry):
            for j in range(D // 16):
                acc = grows[b * L, pl.ds(j * 16, 16)]
                for l in range(1, L):
                    acc = acc + grows[b * L + l, pl.ds(j * 16, 16)]
                gsum[b, pl.ds(j * 16, 16)] = acc
            return carry

        lax.fori_loop(0, BPW, body, 0)
        pltpu.sync_copy(gsum, out_hbm.at[pl.ds(base, BPW), pl.ds(0, D)])

    return genre_kernel(genre_ids_flat, genre_table)


def _sc_movie_rows(movie_ids, movie_table):
    @functools.partial(
        pl.kernel,
        mesh=_MESH,
        out_type=jax.ShapeDtypeStruct((B, 128), jnp.float32),
        scratch_types=[
            pltpu.VMEM((BPW,), jnp.int32),
            pltpu.VMEM((BPW, D), jnp.float32),
            pltpu.SemaphoreType.DMA,
        ],
        compiler_params=pltpu.CompilerParams(use_tc_tiling_on_sc=False),
    )
    def movie_kernel(mids_hbm, mtab_hbm, out_hbm, midx, mrows, sem):
        wid = lax.axis_index("s") * 2 + lax.axis_index("c")
        base = wid * BPW
        pltpu.sync_copy(mids_hbm.at[pl.ds(base, BPW)], midx)
        pltpu.async_copy(mtab_hbm.at[midx], mrows, sem).wait()
        pltpu.sync_copy(mrows, out_hbm.at[pl.ds(base, BPW), pl.ds(0, D)])

    return movie_kernel(movie_ids, movie_table)


def _tc_mlp(m, gsum, genre_ids, row0, W1, b1, W2, b2):
    BLK = 1024

    def mlp_body(m_ref, g_ref, gid_ref, row0_ref, W1_ref, b1_ref, W2t_ref,
                 b2_ref, out_ref):
        gids = gid_ref[...]
        c0 = jnp.sum((gids == 0).astype(jnp.float32), axis=1, keepdims=True)
        denom = jnp.maximum(jnp.float32(L) - c0, 1.0)
        g = (g_ref[:, :D] - c0 * row0_ref[...]) / denom
        h = jnp.maximum(
            jnp.dot(m_ref[:, :D], W1_ref[:D, :],
                    preferred_element_type=jnp.float32)
            + jnp.dot(g, W1_ref[D:, :], preferred_element_type=jnp.float32)
            + b1_ref[...],
            0.0,
        )
        out_ref[...] = (
            lax.dot_general(W2t_ref[...], h, (((1,), (1,)), ((), ())),
                            preferred_element_type=jnp.float32)
            + b2_ref[...]
        )

    out_t = pl.pallas_call(
        mlp_body,
        grid=(B // BLK,),
        in_specs=[
            pl.BlockSpec((BLK, 128), lambda i: (i, 0)),
            pl.BlockSpec((BLK, 128), lambda i: (i, 0)),
            pl.BlockSpec((BLK, L), lambda i: (i, 0)),
            pl.BlockSpec((1, D), lambda i: (0, 0)),
            pl.BlockSpec((2 * D, H1), lambda i: (0, 0)),
            pl.BlockSpec((1, H1), lambda i: (0, 0)),
            pl.BlockSpec((OUT, H1), lambda i: (0, 0)),
            pl.BlockSpec((OUT, 1), lambda i: (0, 0)),
        ],
        out_specs=pl.BlockSpec((OUT, BLK), lambda i: (0, i)),
        out_shape=jax.ShapeDtypeStruct((OUT, B), jnp.float32),
        compiler_params=pltpu.CompilerParams(
            dimension_semantics=("parallel",),
        ),
    )(m, gsum, genre_ids, row0, W1, b1, W2, b2)
    return out_t.T


def kernel(movie_ids, genre_ids, movie_table, genre_table, W1, b1, W2, b2):
    mids = movie_ids.astype(jnp.int32)
    gids = genre_ids.astype(jnp.int32)
    gsum = _sc_genre_sum(gids.reshape(B * L), genre_table)
    m = _sc_movie_rows(mids, movie_table)
    row0 = genre_table[0:1, :]
    return _tc_mlp(m, gsum, gids, row0,
                   W1, b1.reshape(1, H1), W2.T, b2.reshape(OUT, 1))

# --- scband reference (transcript-rebuilt; emitter-appended) ---
"""Pipeline reference for scband-candidate-model-52218212385092 (READ-ONLY COPY).

The authoritative reference and input builder live on the scoring server;
editing this copy changes nothing except your own understanding.
"""

import jax, jax.numpy as jnp
import numpy as np

B = 4096
L = 20
MOVIE_VOCAB = 100001  # len(unique_movie_titles) + 1 (StringLookup OOV row)
GENRE_VOCAB = 10000   # TextVectorization max_tokens (hardcoded in module)
D = 32
H1 = 256
OUT = 64


def setup_inputs(seed: int = 0) -> dict:
    key = jax.random.key(seed)
    ks = jax.random.split(key, 8)
    movie_ids = jax.random.randint(ks[0], (B,), 0, 100000)
    genre_ids = jax.random.randint(ks[1], (B, L), 0, GENRE_VOCAB)  # 0 = padding/mask token
    movie_table = jax.random.normal(ks[2], (MOVIE_VOCAB, D), dtype=jnp.float32) * 0.05
    genre_table = jax.random.normal(ks[3], (GENRE_VOCAB, D), dtype=jnp.float32) * 0.05
    W1 = jax.random.normal(ks[4], (2 * D, H1), dtype=jnp.float32) * 0.05
    b1 = jnp.zeros((H1,), dtype=jnp.float32)
    W2 = jax.random.normal(ks[5], (H1, OUT), dtype=jnp.float32) * 0.05
    b2 = jnp.zeros((OUT,), dtype=jnp.float32)
    return {
        'movie_ids': movie_ids,
        'genre_ids': genre_ids,
        'movie_table': movie_table,
        'genre_table': genre_table,
        'W1': W1,
        'b1': b1,
        'W2': W2,
        'b2': b2,
    }


def reference(movie_ids, genre_ids, movie_table, genre_table, W1, b1, W2, b2):
    # MovieModel: movie title embedding (StringLookup abstracted to int ids)
    m = jnp.take(movie_table, movie_ids, axis=0)  # [B, 32]
    # Genre: Embedding(mask_zero=True) + GlobalAveragePooling1D (masked mean)
    g = jnp.take(genre_table, genre_ids, axis=0)  # [B, L, 32]
    mask = (genre_ids != 0).astype(g.dtype)[..., None]  # [B, L, 1]
    denom = jnp.maximum(mask.sum(axis=1), 1.0)  # [B, 1]
    g_pooled = (g * mask).sum(axis=1) / denom  # [B, 32]
    feat = jnp.concatenate([m, g_pooled], axis=1)  # [B, 64]
    # Dense tower: Dense(256, relu) -> Dense(64)
    h = jax.nn.relu(feat @ W1 + b1)
    out = h @ W2 + b2
    return out

if __name__ == "__main__":
    import jax
    _d = setup_inputs()
    print(jax.jit(kernel)(*tuple(_d.values())))

</pallas_src>

<mosaic_0001>
#map = affine_map<(d0, d1) -> (0)>
#map1 = affine_map<(d0, d1) -> (0, 0)>
module attributes {stable_mosaic.version = 14 : i64} {
  func.func @genre_kernel(%arg0: i32, %arg1: i32, %arg2: memref<81920xi32, #tpu.memory_space<hbm>>, %arg3: memref<10000x32xf32, #tpu.memory_space<hbm>>, %arg4: memref<4096x128xf32, #tpu.memory_space<hbm>>, %arg5: memref<2560xi32, #tpu.memory_space<vmem>>, %arg6: memref<2560x32xf32, #tpu.memory_space<vmem>>, %arg7: memref<128x32xf32, #tpu.memory_space<vmem>>, %arg8: memref<!tpu.dma_semaphore, #tpu.memory_space<semaphore_mem>>) attributes {dimension_semantics = [#tpu.dimension_semantics<core_parallel>, #tpu.dimension_semantics<subcore_parallel>], iteration_bounds = array<i64: 2, 16>, scalar_prefetch = 0 : i64, scratch_operands = 4 : i64, tpu.core_type = #tpu.core_type<sc_vector_subcore>, window_params = [{transform_indices = #map}, {transform_indices = #map1}, {transform_indices = #map1}]} {
    %mul3A = arith.constant 2 : i32
    %mul3A_0 = arith.muli %arg1, %mul3A : i32
    %add3A = arith.addi %mul3A_0, %arg0 : i32
    %mul3A_1 = arith.constant 128 : i32
    %mul3A_2 = arith.muli %add3A, %mul3A_1 : i32
    %mul3A_3 = arith.constant 20 : i32
    %mul3A_4 = arith.muli %mul3A_2, %mul3A_3 : i32
    "tpu.region"() ({
      %run_scoped3A = tpu.sem_alloc : memref<!tpu.dma_semaphore, #tpu.memory_space<semaphore_mem>>
      %dma_start3A_328 = tpu.memref_slice %arg2[%mul3A_4] : memref<81920xi32, #tpu.memory_space<hbm>> -> memref<2560xi32, #tpu.memory_space<hbm>>
      %dma_start3A_329 = tpu.memref_slice %arg2[%mul3A_4] : memref<81920xi32, #tpu.memory_space<hbm>> -> memref<2560xi32, #tpu.memory_space<hbm>>
      tpu.enqueue_dma source(%dma_start3A_329 : memref<2560xi32, #tpu.memory_space<hbm>>) target(%arg5 : memref<2560xi32, #tpu.memory_space<vmem>>) target_semaphore(%run_scoped3A : memref<!tpu.dma_semaphore, #tpu.memory_space<semaphore_mem>>)
      %dma_wait3A_330 = tpu.memref_slice %arg2[%mul3A_4] : memref<81920xi32, #tpu.memory_space<hbm>> -> memref<2560xi32, #tpu.memory_space<hbm>>
      %dma_wait3A_331 = tpu.memref_slice %arg2[%mul3A_4] : memref<81920xi32, #tpu.memory_space<hbm>> -> memref<2560xi32, #tpu.memory_space<hbm>>
      tpu.wait_dma2 semaphore(%run_scoped3A : memref<!tpu.dma_semaphore, #tpu.memory_space<semaphore_mem>>) src(%dma_wait3A_331 : memref<2560xi32, #tpu.memory_space<hbm>>) dst(%arg5 : memref<2560xi32, #tpu.memory_space<vmem>>)
      tpu.yield
    }) : () -> ()
    %dma_start3A = arith.constant 0 : i32
    %dma_start3A_5 = arith.constant 0 : i32
    %dma_start3A_6 = tpu.memref_slice %arg6[%dma_start3A, %dma_start3A_5] : memref<2560x32xf32, #tpu.memory_space<vmem>> -> memref<128x32xf32, #tpu.memory_space<vmem>>
    %dma_start3A_7 = arith.constant 0 : i32
    %dma_start3A_8 = tpu.memref_slice %arg5[%dma_start3A_7] : memref<2560xi32, #tpu.memory_space<vmem>> -> memref<128xi32, #tpu.memory_space<vmem>>
    %dma_start3A_9 = arith.constant 0 : i32
    %dma_start3A_10 = arith.constant 0 : i32
    %dma_start3A_11 = tpu.memref_slice %arg3[%dma_start3A_9, %dma_start3A_10] : memref<10000x32xf32, #tpu.memory_space<hbm>> -> memref<10000x32xf32, #tpu.memory_space<hbm>>
    tpu.enqueue_indirect_dma source(%dma_start3A_11 : memref<10000x32xf32, #tpu.memory_space<hbm>>) target(%dma_start3A_6 : memref<128x32xf32, #tpu.memory_space<vmem>>) offsets(%dma_start3A_8 : memref<128xi32, #tpu.memory_space<vmem>>) semaphore(%arg8 : memref<!tpu.dma_semaphore, #tpu.memory_space<semaphore_mem>>)
    %dma_start3A_12 = arith.constant 128 : i32
    %dma_start3A_13 = arith.constant 0 : i32
    %dma_start3A_14 = tpu.memref_slice %arg6[%dma_start3A_12, %dma_start3A_13] : memref<2560x32xf32, #tpu.memory_space<vmem>> -> memref<128x32xf32, #tpu.memory_space<vmem>>
    %dma_start3A_15 = arith.constant 128 : i32
    %dma_start3A_16 = tpu.memref_slice %arg5[%dma_start3A_15] : memref<2560xi32, #tpu.memory_space<vmem>> -> memref<128xi32, #tpu.memory_space<vmem>>
    %dma_start3A_17 = arith.constant 0 : i32
    %dma_start3A_18 = arith.constant 0 : i32
    %dma_start3A_19 = tpu.memref_slice %arg3[%dma_start3A_17, %dma_start3A_18] : memref<10000x32xf32, #tpu.memory_space<hbm>> -> memref<10000x32xf32, #tpu.memory_space<hbm>>
    tpu.enqueue_indirect_dma source(%dma_start3A_19 : memref<10000x32xf32, #tpu.memory_space<hbm>>) target(%dma_start3A_14 : memref<128x32xf32, #tpu.memory_space<vmem>>) offsets(%dma_start3A_16 : memref<128xi32, #tpu.memory_space<vmem>>) semaphore(%arg8 : memref<!tpu.dma_semaphore, #tpu.memory_space<semaphore_mem>>)
    %dma_start3A_20 = arith.constant 256 : i32
    %dma_start3A_21 = arith.constant 0 : i32
    %dma_start3A_22 = tpu.memref_slice %arg6[%dma_start3A_20, %dma_start3A_21] : memref<2560x32xf32, #tpu.memory_space<vmem>> -> memref<128x32xf32, #tpu.memory_space<vmem>>
    %dma_start3A_23 = arith.constant 256 : i32
    %dma_start3A_24 = tpu.memref_slice %arg5[%dma_start3A_23] : memref<2560xi32, #tpu.memory_space<vmem>> -> memref<128xi32, #tpu.memory_space<vmem>>
    %dma_start3A_25 = arith.constant 0 : i32
    %dma_start3A_26 = arith.constant 0 : i32
    %dma_start3A_27 = tpu.memref_slice %arg3[%dma_start3A_25, %dma_start3A_26] : memref<10000x32xf32, #tpu.memory_space<hbm>> -> memref<10000x32xf32, #tpu.memory_space<hbm>>
    tpu.enqueue_indirect_dma source(%dma_start3A_27 : memref<10000x32xf32, #tpu.memory_space<hbm>>) target(%dma_start3A_22 : memref<128x32xf32, #tpu.memory_space<vmem>>) offsets(%dma_start3A_24 : memref<128xi32, #tpu.memory_space<vmem>>) semaphore(%arg8 : memref<!tpu.dma_semaphore, #tpu.memory_space<semaphore_mem>>)
    %dma_start3A_28 = arith.constant 384 : i32
    %dma_start3A_29 = arith.constant 0 : i32
    %dma_start3A_30 = tpu.memref_slice %arg6[%dma_start3A_28, %dma_start3A_29] : memref<2560x32xf32, #tpu.memory_space<vmem>> -> memref<128x32xf32, #tpu.memory_space<vmem>>
    %dma_start3A_31 = arith.constant 384 : i32
    %dma_start3A_32 = tpu.memref_slice %arg5[%dma_start3A_31] : memref<2560xi32, #tpu.memory_space<vmem>> -> memref<128xi32, #tpu.memory_space<vmem>>
    %dma_start3A_33 = arith.constant 0 : i32
    %dma_start3A_34 = arith.constant 0 : i32
    %dma_start3A_35 = tpu.memref_slice %arg3[%dma_start3A_33, %dma_start3A_34] : memref<10000x32xf32, #tpu.memory_space<hbm>> -> memref<10000x32xf32, #tpu.memory_space<hbm>>
    tpu.enqueue_indirect_dma source(%dma_start3A_35 : memref<10000x32xf32, #tpu.memory_space<hbm>>) target(%dma_start3A_30 : memref<128x32xf32, #tpu.memory_space<vmem>>) offsets(%dma_start3A_32 : memref<128xi32, #tpu.memory_space<vmem>>) semaphore(%arg8 : memref<!tpu.dma_semaphore, #tpu.memory_space<semaphore_mem>>)
    %dma_start3A_36 = arith.constant 512 : i32
    %dma_start3A_37 = arith.constant 0 : i32
    %dma_start3A_38 = tpu.memref_slice %arg6[%dma_start3A_36, %dma_start3A_37] : memref<2560x32xf32, #tpu.memory_space<vmem>> -> memref<128x32xf32, #tpu.memory_space<vmem>>
    %dma_start3A_39 = arith.constant 512 : i32
    %dma_start3A_40 = tpu.memref_slice %arg5[%dma_start3A_39] : memref<2560xi32, #tpu.memory_space<vmem>> -> memref<128xi32, #tpu.memory_space<vmem>>
    %dma_start3A_41 = arith.constant 0 : i32
    %dma_start3A_42 = arith.constant 0 : i32
    %dma_start3A_43 = tpu.memref_slice %arg3[%dma_start3A_41, %dma_start3A_42] : memref<10000x32xf32, #tpu.memory_space<hbm>> -> memref<10000x32xf32, #tpu.memory_space<hbm>>
    tpu.enqueue_indirect_dma source(%dma_start3A_43 : memref<10000x32xf32, #tpu.memory_space<hbm>>) target(%dma_start3A_38 : memref<128x32xf32, #tpu.memory_space<vmem>>) offsets(%dma_start3A_40 : memref<128xi32, #tpu.memory_space<vmem>>) semaphore(%arg8 : memref<!tpu.dma_semaphore, #tpu.memory_space<semaphore_mem>>)
    %dma_start3A_44 = arith.constant 640 : i32
    %dma_start3A_45 = arith.constant 0 : i32
    %dma_start3A_46 = tpu.memref_slice %arg6[%dma_start3A_44, %dma_start3A_45] : memref<2560x32xf32, #tpu.memory_space<vmem>> -> memref<128x32xf32, #tpu.memory_space<vmem>>
    %dma_start3A_47 = arith.constant 640 : i32
    %dma_start3A_48 = tpu.memref_slice %arg5[%dma_start3A_47] : memref<2560xi32, #tpu.memory_space<vmem>> -> memref<128xi32, #tpu.memory_space<vmem>>
    %dma_start3A_49 = arith.constant 0 : i32
    %dma_start3A_50 = arith.constant 0 : i32
    %dma_start3A_51 = tpu.memref_slice %arg3[%dma_start3A_49, %dma_start3A_50] : memref<10000x32xf32, #tpu.memory_space<hbm>> -> memref<10000x32xf32, #tpu.memory_space<hbm>>
    tpu.enqueue_indirect_dma source(%dma_start3A_51 : memref<10000x32xf32, #tpu.memory_space<hbm>>) target(%dma_start3A_46 : memref<128x32xf32, #tpu.memory_space<vmem>>) offsets(%dma_start3A_48 : memref<128xi32, #tpu.memory_space<vmem>>) semaphore(%arg8 : memref<!tpu.dma_semaphore, #tpu.memory_space<semaphore_mem>>)
    %dma_start3A_52 = arith.constant 768 : i32
    %dma_start3A_53 = arith.constant 0 : i32
    %dma_start3A_54 = tpu.memref_slice %arg6[%dma_start3A_52, %dma_start3A_53] : memref<2560x32xf32, #tpu.memory_space<vmem>> -> memref<128x32xf32, #tpu.memory_space<vmem>>
    %dma_start3A_55 = arith.constant 768 : i32
    %dma_start3A_56 = tpu.memref_slice %arg5[%dma_start3A_55] : memref<2560xi32, #tpu.memory_space<vmem>> -> memref<128xi32, #tpu.memory_space<vmem>>
    %dma_start3A_57 = arith.constant 0 : i32
    %dma_start3A_58 = arith.constant 0 : i32
    %dma_start3A_59 = tpu.memref_slice %arg3[%dma_start3A_57, %dma_start3A_58] : memref<10000x32xf32, #tpu.memory_space<hbm>> -> memref<10000x32xf32, #tpu.memory_space<hbm>>
    tpu.enqueue_indirect_dma source(%dma_start3A_59 : memref<10000x32xf32, #tpu.memory_space<hbm>>) target(%dma_start3A_54 : memref<128x32xf32, #tpu.memory_space<vmem>>) offsets(%dma_start3A_56 : memref<128xi32, #tpu.memory_space<vmem>>) semaphore(%arg8 : memref<!tpu.dma_semaphore, #tpu.memory_space<semaphore_mem>>)
    %dma_start3A_60 = arith.constant 896 : i32
    %dma_start3A_61 = arith.constant 0 : i32
    %dma_start3A_62 = tpu.memref_slice %arg6[%dma_start3A_60, %dma_start3A_61] : memref<2560x32xf32, #tpu.memory_space<vmem>> -> memref<128x32xf32, #tpu.memory_space<vmem>>
    %dma_start3A_63 = arith.constant 896 : i32
    %dma_start3A_64 = tpu.memref_slice %arg5[%dma_start3A_63] : memref<2560xi32, #tpu.memory_space<vmem>> -> memref<128xi32, #tpu.memory_space<vmem>>
    %dma_start3A_65 = arith.constant 0 : i32
    %dma_start3A_66 = arith.constant 0 : i32
    %dma_start3A_67 = tpu.memref_slice %arg3[%dma_start3A_65, %dma_start3A_66] : memref<10000x32xf32, #tpu.memory_space<hbm>> -> memref<10000x32xf32, #tpu.memory_space<hbm>>
    tpu.enqueue_indirect_dma source(%dma_start3A_67 : memref<10000x32xf32, #tpu.memory_space<hbm>>) target(%dma_start3A_62 : memref<128x32xf32, #tpu.memory_space<vmem>>) offsets(%dma_start3A_64 : memref<128xi32, #tpu.memory_space<vmem>>) semaphore(%arg8 : memref<!tpu.dma_semaphore, #tpu.memory_space<semaphore_mem>>)
    %dma_start3A_68 = arith.constant 1024 : i32
    %dma_start3A_69 = arith.constant 0 : i32
    %dma_start3A_70 = tpu.memref_slice %arg6[%dma_start3A_68, %dma_start3A_69] : memref<2560x32xf32, #tpu.memory_space<vmem>> -> memref<128x32xf32, #tpu.memory_space<vmem>>
    %dma_start3A_71 = arith.constant 1024 : i32
    %dma_start3A_72 = tpu.memref_slice %arg5[%dma_start3A_71] : memref<2560xi32, #tpu.memory_space<vmem>> -> memref<128xi32, #tpu.memory_space<vmem>>
    %dma_start3A_73 = arith.constant 0 : i32
    %dma_start3A_74 = arith.constant 0 : i32
    %dma_start3A_75 = tpu.memref_slice %arg3[%dma_start3A_73, %dma_start3A_74] : memref<10000x32xf32, #tpu.memory_space<hbm>> -> memref<10000x32xf32, #tpu.memory_space<hbm>>
    tpu.enqueue_indirect_dma source(%dma_start3A_75 : memref<10000x32xf32, #tpu.memory_space<hbm>>) target(%dma_start3A_70 : memref<128x32xf32, #tpu.memory_space<vmem>>) offsets(%dma_start3A_72 : memref<128xi32, #tpu.memory_space<vmem>>) semaphore(%arg8 : memref<!tpu.dma_semaphore, #tpu.memory_space<semaphore_mem>>)
    %dma_start3A_76 = arith.constant 1152 : i32
    %dma_start3A_77 = arith.constant 0 : i32
    %dma_start3A_78 = tpu.memref_slice %arg6[%dma_start3A_76, %dma_start3A_77] : memref<2560x32xf32, #tpu.memory_space<vmem>> -> memref<128x32xf32, #tpu.memory_space<vmem>>
    %dma_start3A_79 = arith.constant 1152 : i32
    %dma_start3A_80 = tpu.memref_slice %arg5[%dma_start3A_79] : memref<2560xi32, #tpu.memory_space<vmem>> -> memref<128xi32, #tpu.memory_space<vmem>>
    %dma_start3A_81 = arith.constant 0 : i32
    %dma_start3A_82 = arith.constant 0 : i32
    %dma_start3A_83 = tpu.memref_slice %arg3[%dma_start3A_81, %dma_start3A_82] : memref<10000x32xf32, #tpu.memory_space<hbm>> -> memref<10000x32xf32, #tpu.memory_space<hbm>>
    tpu.enqueue_indirect_dma source(%dma_start3A_83 : memref<10000x32xf32, #tpu.memory_space<hbm>>) target(%dma_start3A_78 : memref<128x32xf32, #tpu.memory_space<vmem>>) offsets(%dma_start3A_80 : memref<128xi32, #tpu.memory_space<vmem>>) semaphore(%arg8 : memref<!tpu.dma_semaphore, #tpu.memory_space<semaphore_mem>>)
    %dma_start3A_84 = arith.constant 1280 : i32
    %dma_start3A_85 = arith.constant 0 : i32
    %dma_start3A_86 = tpu.memref_slice %arg6[%dma_start3A_84, %dma_start3A_85] : memref<2560x32xf32, #tpu.memory_space<vmem>> -> memref<128x32xf32, #tpu.memory_space<vmem>>
    %dma_start3A_87 = arith.constant 1280 : i32
    %dma_start3A_88 = tpu.memref_slice %arg5[%dma_start3A_87] : memref<2560xi32, #tpu.memory_space<vmem>> -> memref<128xi32, #tpu.memory_space<vmem>>
    %dma_start3A_89 = arith.constant 0 : i32
    %dma_start3A_90 = arith.constant 0 : i32
    %dma_start3A_91 = tpu.memref_slice %arg3[%dma_start3A_89, %dma_start3A_90] : memref<10000x32xf32, #tpu.memory_space<hbm>> -> memref<10000x32xf32, #tpu.memory_space<hbm>>
    tpu.enqueue_indirect_dma source(%dma_start3A_91 : memref<10000x32xf32, #tpu.memory_space<hbm>>) target(%dma_start3A_86 : memref<128x32xf32, #tpu.memory_space<vmem>>) offsets(%dma_start3A_88 : memref<128xi32, #tpu.memory_space<vmem>>) semaphore(%arg8 : memref<!tpu.dma_semaphore, #tpu.memory_space<semaphore_mem>>)
    %dma_start3A_92 = arith.constant 1408 : i32
    %dma_start3A_93 = arith.constant 0 : i32
    %dma_start3A_94 = tpu.memref_slice %arg6[%dma_start3A_92, %dma_start3A_93] : memref<2560x32xf32, #tpu.memory_space<vmem>> -> memref<128x32xf32, #tpu.memory_space<vmem>>
    %dma_start3A_95 = arith.constant 1408 : i32
    %dma_start3A_96 = tpu.memref_slice %arg5[%dma_start3A_95] : memref<2560xi32, #tpu.memory_space<vmem>> -> memref<128xi32, #tpu.memory_space<vmem>>
    %dma_start3A_97 = arith.constant 0 : i32
    %dma_start3A_98 = arith.constant 0 : i32
    %dma_start3A_99 = tpu.memref_slice %arg3[%dma_start3A_97, %dma_start3A_98] : memref<10000x32xf32, #tpu.memory_space<hbm>> -> memref<10000x32xf32, #tpu.memory_space<hbm>>
    tpu.enqueue_indirect_dma source(%dma_start3A_99 : memref<10000x32xf32, #tpu.memory_space<hbm>>) target(%dma_start3A_94 : memref<128x32xf32, #tpu.memory_space<vmem>>) offsets(%dma_start3A_96 : memref<128xi32, #tpu.memory_space<vmem>>) semaphore(%arg8 : memref<!tpu.dma_semaphore, #tpu.memory_space<semaphore_mem>>)
    %dma_start3A_100 = arith.constant 1536 : i32
    %dma_start3A_101 = arith.constant 0 : i32
    %dma_start3A_102 = tpu.memref_slice %arg6[%dma_start3A_100, %dma_start3A_101] : memref<2560x32xf32, #tpu.memory_space<vmem>> -> memref<128x32xf32, #tpu.memory_space<vmem>>
    %dma_start3A_103 = arith.constant 1536 : i32
    %dma_start3A_104 = tpu.memref_slice %arg5[%dma_start3A_103] : memref<2560xi32, #tpu.memory_space<vmem>> -> memref<128xi32, #tpu.memory_space<vmem>>
    %dma_start3A_105 = arith.constant 0 : i32
    %dma_start3A_106 = arith.constant 0 : i32
    %dma_start3A_107 = tpu.memref_slice %arg3[%dma_start3A_105, %dma_start3A_106] : memref<10000x32xf32, #tpu.memory_space<hbm>> -> memref<10000x32xf32, #tpu.memory_space<hbm>>
    tpu.enqueue_indirect_dma source(%dma_start3A_107 : memref<10000x32xf32, #tpu.memory_space<hbm>>) target(%dma_start3A_102 : memref<128x32xf32, #tpu.memory_space<vmem>>) offsets(%dma_start3A_104 : memref<128xi32, #tpu.memory_space<vmem>>) semaphore(%arg8 : memref<!tpu.dma_semaphore, #tpu.memory_space<semaphore_mem>>)
    %dma_start3A_108 = arith.constant 1664 : i32
    %dma_start3A_109 = arith.constant 0 : i32
    %dma_start3A_110 = tpu.memref_slice %arg6[%dma_start3A_108, %dma_start3A_109] : memref<2560x32xf32, #tpu.memory_space<vmem>> -> memref<128x32xf32, #tpu.memory_space<vmem>>
    %dma_start3A_111 = arith.constant 1664 : i32
    %dma_start3A_112 = tpu.memref_slice %arg5[%dma_start3A_111] : memref<2560xi32, #tpu.memory_space<vmem>> -> memref<128xi32, #tpu.memory_space<vmem>>
    %dma_start3A_113 = arith.constant 0 : i32
    %dma_start3A_114 = arith.constant 0 : i32
    %dma_start3A_115 = tpu.memref_slice %arg3[%dma_start3A_113, %dma_start3A_114] : memref<10000x32xf32, #tpu.memory_space<hbm>> -> memref<10000x32xf32, #tpu.memory_space<hbm>>
    tpu.enqueue_indirect_dma source(%dma_start3A_115 : memref<10000x32xf32, #tpu.memory_space<hbm>>) target(%dma_start3A_110 : memref<128x32xf32, #tpu.memory_space<vmem>>) offsets(%dma_start3A_112 : memref<128xi32, #tpu.memory_space<vmem>>) semaphore(%arg8 : memref<!tpu.dma_semaphore, #tpu.memory_space<semaphore_mem>>)
    %dma_start3A_116 = arith.constant 1792 : i32
    %dma_start3A_117 = arith.constant 0 : i32
    %dma_start3A_118 = tpu.memref_slice %arg6[%dma_start3A_116, %dma_start3A_117] : memref<2560x32xf32, #tpu.memory_space<vmem>> -> memref<128x32xf32, #tpu.memory_space<vmem>>
    %dma_start3A_119 = arith.constant 1792 : i32
    %dma_start3A_120 = tpu.memref_slice %arg5[%dma_start3A_119] : memref<2560xi32, #tpu.memory_space<vmem>> -> memref<128xi32, #tpu.memory_space<vmem>>
    %dma_start3A_121 = arith.constant 0 : i32
    %dma_start3A_122 = arith.constant 0 : i32
    %dma_start3A_123 = tpu.memref_slice %arg3[%dma_start3A_121, %dma_start3A_122] : memref<10000x32xf32, #tpu.memory_space<hbm>> -> memref<10000x32xf32, #tpu.memory_space<hbm>>
    tpu.enqueue_indirect_dma source(%dma_start3A_123 : memref<10000x32xf32, #tpu.memory_space<hbm>>) target(%dma_start3A_118 : memref<128x32xf32, #tpu.memory_space<vmem>>) offsets(%dma_start3A_120 : memref<128xi32, #tpu.memory_space<vmem>>) semaphore(%arg8 : memref<!tpu.dma_semaphore, #tpu.memory_space<semaphore_mem>>)
    %dma_start3A_124 = arith.constant 1920 : i32
    %dma_start3A_125 = arith.constant 0 : i32
    %dma_start3A_126 = tpu.memref_slice %arg6[%dma_start3A_124, %dma_start3A_125] : memref<2560x32xf32, #tpu.memory_space<vmem>> -> memref<128x32xf32, #tpu.memory_space<vmem>>
    %dma_start3A_127 = arith.constant 1920 : i32
    %dma_start3A_128 = tpu.memref_slice %arg5[%dma_start3A_127] : memref<2560xi32, #tpu.memory_space<vmem>> -> memref<128xi32, #tpu.memory_space<vmem>>
    %dma_start3A_129 = arith.constant 0 : i32
    %dma_start3A_130 = arith.constant 0 : i32
    %dma_start3A_131 = tpu.memref_slice %arg3[%dma_start3A_129, %dma_start3A_130] : memref<10000x32xf32, #tpu.memory_space<hbm>> -> memref<10000x32xf32, #tpu.memory_space<hbm>>
    tpu.enqueue_indirect_dma source(%dma_start3A_131 : memref<10000x32xf32, #tpu.memory_space<hbm>>) target(%dma_start3A_126 : memref<128x32xf32, #tpu.memory_space<vmem>>) offsets(%dma_start3A_128 : memref<128xi32, #tpu.memory_space<vmem>>) semaphore(%arg8 : memref<!tpu.dma_semaphore, #tpu.memory_space<semaphore_mem>>)
    %dma_start3A_132 = arith.constant 2048 : i32
    %dma_start3A_133 = arith.constant 0 : i32
    %dma_start3A_134 = tpu.memref_slice %arg6[%dma_start3A_132, %dma_start3A_133] : memref<2560x32xf32, #tpu.memory_space<vmem>> -> memref<128x32xf32, #tpu.memory_space<vmem>>
    %dma_start3A_135 = arith.constant 2048 : i32
    %dma_start3A_136 = tpu.memref_slice %arg5[%dma_start3A_135] : memref<2560xi32, #tpu.memory_space<vmem>> -> memref<128xi32, #tpu.memory_space<vmem>>
    %dma_start3A_137 = arith.constant 0 : i32
    %dma_start3A_138 = arith.constant 0 : i32
    %dma_start3A_139 = tpu.memref_slice %arg3[%dma_start3A_137, %dma_start3A_138] : memref<10000x32xf32, #tpu.memory_space<hbm>> -> memref<10000x32xf32, #tpu.memory_space<hbm>>
    tpu.enqueue_indirect_dma source(%dma_start3A_139 : memref<10000x32xf32, #tpu.memory_space<hbm>>) target(%dma_start3A_134 : memref<128x32xf32, #tpu.memory_space<vmem>>) offsets(%dma_start3A_136 : memref<128xi32, #tpu.memory_space<vmem>>) semaphore(%arg8 : memref<!tpu.dma_semaphore, #tpu.memory_space<semaphore_mem>>)
    %dma_start3A_140 = arith.constant 2176 : i32
    %dma_start3A_141 = arith.constant 0 : i32
    %dma_start3A_142 = tpu.memref_slice %arg6[%dma_start3A_140, %dma_start3A_141] : memref<2560x32xf32, #tpu.memory_space<vmem>> -> memref<128x32xf32, #tpu.memory_space<vmem>>
    %dma_start3A_143 = arith.constant 2176 : i32
    %dma_start3A_144 = tpu.memref_slice %arg5[%dma_start3A_143] : memref<2560xi32, #tpu.memory_space<vmem>> -> memref<128xi32, #tpu.memory_space<vmem>>
    %dma_start3A_145 = arith.constant 0 : i32
    %dma_start3A_146 = arith.constant 0 : i32
    %dma_start3A_147 = tpu.memref_slice %arg3[%dma_start3A_145, %dma_start3A_146] : memref<10000x32xf32, #tpu.memory_space<hbm>> -> memref<10000x32xf32, #tpu.memory_space<hbm>>
    tpu.enqueue_indirect_dma source(%dma_start3A_147 : memref<10000x32xf32, #tpu.memory_space<hbm>>) target(%dma_start3A_142 : memref<128x32xf32, #tpu.memory_space<vmem>>) offsets(%dma_start3A_144 : memref<128xi32, #tpu.memory_space<vmem>>) semaphore(%arg8 : memref<!tpu.dma_semaphore, #tpu.memory_space<semaphore_mem>>)
    %dma_start3A_148 = arith.constant 2304 : i32
    %dma_start3A_149 = arith.constant 0 : i32
    %dma_start3A_150 = tpu.memref_slice %arg6[%dma_start3A_148, %dma_start3A_149] : memref<2560x32xf32, #tpu.memory_space<vmem>> -> memref<128x32xf32, #tpu.memory_space<vmem>>
    %dma_start3A_151 = arith.constant 2304 : i32
    %dma_start3A_152 = tpu.memref_slice %arg5[%dma_start3A_151] : memref<2560xi32, #tpu.memory_space<vmem>> -> memref<128xi32, #tpu.memory_space<vmem>>
    %dma_start3A_153 = arith.constant 0 : i32
    %dma_start3A_154 = arith.constant 0 : i32
    %dma_start3A_155 = tpu.memref_slice %arg3[%dma_start3A_153, %dma_start3A_154] : memref<10000x32xf32, #tpu.memory_space<hbm>> -> memref<10000x32xf32, #tpu.memory_space<hbm>>
    tpu.enqueue_indirect_dma source(%dma_start3A_155 : memref<10000x32xf32, #tpu.memory_space<hbm>>) target(%dma_start3A_150 : memref<128x32xf32, #tpu.memory_space<vmem>>) offsets(%dma_start3A_152 : memref<128xi32, #tpu.memory_space<vmem>>) semaphore(%arg8 : memref<!tpu.dma_semaphore, #tpu.memory_space<semaphore_mem>>)
    %dma_start3A_156 = arith.constant 2432 : i32
    %dma_start3A_157 = arith.constant 0 : i32
    %dma_start3A_158 = tpu.memref_slice %arg6[%dma_start3A_156, %dma_start3A_157] : memref<2560x32xf32, #tpu.memory_space<vmem>> -> memref<128x32xf32, #tpu.memory_space<vmem>>
    %dma_start3A_159 = arith.constant 2432 : i32
    %dma_start3A_160 = tpu.memref_slice %arg5[%dma_start3A_159] : memref<2560xi32, #tpu.memory_space<vmem>> -> memref<128xi32, #tpu.memory_space<vmem>>
    %dma_start3A_161 = arith.constant 0 : i32
    %dma_start3A_162 = arith.constant 0 : i32
    %dma_start3A_163 = tpu.memref_slice %arg3[%dma_start3A_161, %dma_start3A_162] : memref<10000x32xf32, #tpu.memory_space<hbm>> -> memref<10000x32xf32, #tpu.memory_space<hbm>>
    tpu.enqueue_indirect_dma source(%dma_start3A_163 : memref<10000x32xf32, #tpu.memory_space<hbm>>) target(%dma_start3A_158 : memref<128x32xf32, #tpu.memory_space<vmem>>) offsets(%dma_start3A_160 : memref<128xi32, #tpu.memory_space<vmem>>) semaphore(%arg8 : memref<!tpu.dma_semaphore, #tpu.memory_space<semaphore_mem>>)
    %dma_wait3A = arith.constant 0 : i32
    %dma_wait3A_164 = arith.constant 0 : i32
    %dma_wait3A_165 = tpu.memref_slice %arg6[%dma_wait3A, %dma_wait3A_164] : memref<2560x32xf32, #tpu.memory_space<vmem>> -> memref<128x32xf32, #tpu.memory_space<vmem>>
    %dma_wait3A_166 = arith.constant 0 : i32
    %dma_wait3A_167 = tpu.memref_slice %arg5[%dma_wait3A_166] : memref<2560xi32, #tpu.memory_space<vmem>> -> memref<128xi32, #tpu.memory_space<vmem>>
    %dma_wait3A_168 = arith.constant 0 : i32
    %dma_wait3A_169 = arith.constant 0 : i32
    %dma_wait3A_170 = tpu.memref_slice %arg3[%dma_wait3A_168, %dma_wait3A_169] : memref<10000x32xf32, #tpu.memory_space<hbm>> -> memref<10000x32xf32, #tpu.memory_space<hbm>>
    tpu.wait_indirect_dma semaphore(%arg8 : memref<!tpu.dma_semaphore, #tpu.memory_space<semaphore_mem>>) src(%dma_wait3A_170 : memref<10000x32xf32, #tpu.memory_space<hbm>>) dst(%dma_wait3A_165 : memref<128x32xf32, #tpu.memory_space<vmem>>)
    %dma_wait3A_171 = arith.constant 128 : i32
    %dma_wait3A_172 = arith.constant 0 : i32
    %dma_wait3A_173 = tpu.memref_slice %arg6[%dma_wait3A_171, %dma_wait3A_172] : memref<2560x32xf32, #tpu.memory_space<vmem>> -> memref<128x32xf32, #tpu.memory_space<vmem>>
    %dma_wait3A_174 = arith.constant 128 : i32
    %dma_wait3A_175 = tpu.memref_slice %arg5[%dma_wait3A_174] : memref<2560xi32, #tpu.memory_space<vmem>> -> memref<128xi32, #tpu.memory_space<vmem>>
    %dma_wait3A_176 = arith.constant 0 : i32
    %dma_wait3A_177 = arith.constant 0 : i32
    %dma_wait3A_178 = tpu.memref_slice %arg3[%dma_wait3A_176, %dma_wait3A_177] : memref<10000x32xf32, #tpu.memory_space<hbm>> -> memref<10000x32xf32, #tpu.memory_space<hbm>>
    tpu.wait_indirect_dma semaphore(%arg8 : memref<!tpu.dma_semaphore, #tpu.memory_space<semaphore_mem>>) src(%dma_wait3A_178 : memref<10000x32xf32, #tpu.memory_space<hbm>>) dst(%dma_wait3A_173 : memref<128x32xf32, #tpu.memory_space<vmem>>)
    %dma_wait3A_179 = arith.constant 256 : i32
    %dma_wait3A_180 = arith.constant 0 : i32
    %dma_wait3A_181 = tpu.memref_slice %arg6[%dma_wait3A_179, %dma_wait3A_180] : memref<2560x32xf32, #tpu.memory_space<vmem>> -> memref<128x32xf32, #tpu.memory_space<vmem>>
    %dma_wait3A_182 = arith.constant 256 : i32
    %dma_wait3A_183 = tpu.memref_slice %arg5[%dma_wait3A_182] : memref<2560xi32, #tpu.memory_space<vmem>> -> memref<128xi32, #tpu.memory_space<vmem>>
    %dma_wait3A_184 = arith.constant 0 : i32
    %dma_wait3A_185 = arith.constant 0 : i32
    %dma_wait3A_186 = tpu.memref_slice %arg3[%dma_wait3A_184, %dma_wait3A_185] : memref<10000x32xf32, #tpu.memory_space<hbm>> -> memref<10000x32xf32, #tpu.memory_space<hbm>>
    tpu.wait_indirect_dma semaphore(%arg8 : memref<!tpu.dma_semaphore, #tpu.memory_space<semaphore_mem>>) src(%dma_wait3A_186 : memref<10000x32xf32, #tpu.memory_space<hbm>>) dst(%dma_wait3A_181 : memref<128x32xf32, #tpu.memory_space<vmem>>)
    %dma_wait3A_187 = arith.constant 384 : i32
    %dma_wait3A_188 = arith.constant 0 : i32
    %dma_wait3A_189 = tpu.memref_slice %arg6[%dma_wait3A_187, %dma_wait3A_188] : memref<2560x32xf32, #tpu.memory_space<vmem>> -> memref<128x32xf32, #tpu.memory_space<vmem>>
    %dma_wait3A_190 = arith.constant 384 : i32
    %dma_wait3A_191 = tpu.memref_slice %arg5[%dma_wait3A_190] : memref<2560xi32, #tpu.memory_space<vmem>> -> memref<128xi32, #tpu.memory_space<vmem>>
    %dma_wait3A_192 = arith.constant 0 : i32
    %dma_wait3A_193 = arith.constant 0 : i32
    %dma_wait3A_194 = tpu.memref_slice %arg3[%dma_wait3A_192, %dma_wait3A_193] : memref<10000x32xf32, #tpu.memory_space<hbm>> -> memref<10000x32xf32, #tpu.memory_space<hbm>>
    tpu.wait_indirect_dma semaphore(%arg8 : memref<!tpu.dma_semaphore, #tpu.memory_space<semaphore_mem>>) src(%dma_wait3A_194 : memref<10000x32xf32, #tpu.memory_space<hbm>>) dst(%dma_wait3A_189 : memref<128x32xf32, #tpu.memory_space<vmem>>)
    %dma_wait3A_195 = arith.constant 512 : i32
    %dma_wait3A_196 = arith.constant 0 : i32
    %dma_wait3A_197 = tpu.memref_slice %arg6[%dma_wait3A_195, %dma_wait3A_196] : memref<2560x32xf32, #tpu.memory_space<vmem>> -> memref<128x32xf32, #tpu.memory_space<vmem>>
    %dma_wait3A_198 = arith.constant 512 : i32
    %dma_wait3A_199 = tpu.memref_slice %arg5[%dma_wait3A_198] : memref<2560xi32, #tpu.memory_space<vmem>> -> memref<128xi32, #tpu.memory_space<vmem>>
    %dma_wait3A_200 = arith.constant 0 : i32
    %dma_wait3A_201 = arith.constant 0 : i32
    %dma_wait3A_202 = tpu.memref_slice %arg3[%dma_wait3A_200, %dma_wait3A_201] : memref<10000x32xf32, #tpu.memory_space<hbm>> -> memref<10000x32xf32, #tpu.memory_space<hbm>>
    tpu.wait_indirect_dma semaphore(%arg8 : memref<!tpu.dma_semaphore, #tpu.memory_space<semaphore_mem>>) src(%dma_wait3A_202 : memref<10000x32xf32, #tpu.memory_space<hbm>>) dst(%dma_wait3A_197 : memref<128x32xf32, #tpu.memory_space<vmem>>)
    %dma_wait3A_203 = arith.constant 640 : i32
    %dma_wait3A_204 = arith.constant 0 : i32
    %dma_wait3A_205 = tpu.memref_slice %arg6[%dma_wait3A_203, %dma_wait3A_204] : memref<2560x32xf32, #tpu.memory_space<vmem>> -> memref<128x32xf32, #tpu.memory_space<vmem>>
    %dma_wait3A_206 = arith.constant 640 : i32
    %dma_wait3A_207 = tpu.memref_slice %arg5[%dma_wait3A_206] : memref<2560xi32, #tpu.memory_space<vmem>> -> memref<128xi32, #tpu.memory_space<vmem>>
    %dma_wait3A_208 = arith.constant 0 : i32
    %dma_wait3A_209 = arith.constant 0 : i32
    %dma_wait3A_210 = tpu.memref_slice %arg3[%dma_wait3A_208, %dma_wait3A_209] : memref<10000x32xf32, #tpu.memory_space<hbm>> -> memref<10000x32xf32, #tpu.memory_space<hbm>>
    tpu.wait_indirect_dma semaphore(%arg8 : memref<!tpu.dma_semaphore, #tpu.memory_space<semaphore_mem>>) src(%dma_wait3A_210 : memref<10000x32xf32, #tpu.memory_space<hbm>>) dst(%dma_wait3A_205 : memref<128x32xf32, #tpu.memory_space<vmem>>)
    %dma_wait3A_211 = arith.constant 768 : i32
    %dma_wait3A_212 = arith.constant 0 : i32
    %dma_wait3A_213 = tpu.memref_slice %arg6[%dma_wait3A_211, %dma_wait3A_212] : memref<2560x32xf32, #tpu.memory_space<vmem>> -> memref<128x32xf32, #tpu.memory_space<vmem>>
    %dma_wait3A_214 = arith.constant 768 : i32
    %dma_wait3A_215 = tpu.memref_slice %arg5[%dma_wait3A_214] : memref<2560xi32, #tpu.memory_space<vmem>> -> memref<128xi32, #tpu.memory_space<vmem>>
    %dma_wait3A_216 = arith.constant 0 : i32
    %dma_wait3A_217 = arith.constant 0 : i32
    %dma_wait3A_218 = tpu.memref_slice %arg3[%dma_wait3A_216, %dma_wait3A_217] : memref<10000x32xf32, #tpu.memory_space<hbm>> -> memref<10000x32xf32, #tpu.memory_space<hbm>>
    tpu.wait_indirect_dma semaphore(%arg8 : memref<!tpu.dma_semaphore, #tpu.memory_space<semaphore_mem>>) src(%dma_wait3A_218 : memref<10000x32xf32, #tpu.memory_space<hbm>>) dst(%dma_wait3A_213 : memref<128x32xf32, #tpu.memory_space<vmem>>)
    %dma_wait3A_219 = arith.constant 896 : i32
    %dma_wait3A_220 = arith.constant 0 : i32
    %dma_wait3A_221 = tpu.memref_slice %arg6[%dma_wait3A_219, %dma_wait3A_220] : memref<2560x32xf32, #tpu.memory_space<vmem>> -> memref<128x32xf32, #tpu.memory_space<vmem>>
    %dma_wait3A_222 = arith.constant 896 : i32
    %dma_wait3A_223 = tpu.memref_slice %arg5[%dma_wait3A_222] : memref<2560xi32, #tpu.memory_space<vmem>> -> memref<128xi32, #tpu.memory_space<vmem>>
    %dma_wait3A_224 = arith.constant 0 : i32
    %dma_wait3A_225 = arith.constant 0 : i32
    %dma_wait3A_226 = tpu.memref_slice %arg3[%dma_wait3A_224, %dma_wait3A_225] : memref<10000x32xf32, #tpu.memory_space<hbm>> -> memref<10000x32xf32, #tpu.memory_space<hbm>>
    tpu.wait_indirect_dma semaphore(%arg8 : memref<!tpu.dma_semaphore, #tpu.memory_space<semaphore_mem>>) src(%dma_wait3A_226 : memref<10000x32xf32, #tpu.memory_space<hbm>>) dst(%dma_wait3A_221 : memref<128x32xf32, #tpu.memory_space<vmem>>)
    %dma_wait3A_227 = arith.constant 1024 : i32
    %dma_wait3A_228 = arith.constant 0 : i32
    %dma_wait3A_229 = tpu.memref_slice %arg6[%dma_wait3A_227, %dma_wait3A_228] : memref<2560x32xf32, #tpu.memory_space<vmem>> -> memref<128x32xf32, #tpu.memory_space<vmem>>
    %dma_wait3A_230 = arith.constant 1024 : i32
    %dma_wait3A_231 = tpu.memref_slice %arg5[%dma_wait3A_230] : memref<2560xi32, #tpu.memory_space<vmem>> -> memref<128xi32, #tpu.memory_space<vmem>>
    %dma_wait3A_232 = arith.constant 0 : i32
    %dma_wait3A_233 = arith.constant 0 : i32
    %dma_wait3A_234 = tpu.memref_slice %arg3[%dma_wait3A_232, %dma_wait3A_233] : memref<10000x32xf32, #tpu.memory_space<hbm>> -> memref<10000x32xf32, #tpu.memory_space<hbm>>
    tpu.wait_indirect_dma semaphore(%arg8 : memref<!tpu.dma_semaphore, #tpu.memory_space<semaphore_mem>>) src(%dma_wait3A_234 : memref<10000x32xf32, #tpu.memory_space<hbm>>) dst(%dma_wait3A_229 : memref<128x32xf32, #tpu.memory_space<vmem>>)
    %dma_wait3A_235 = arith.constant 1152 : i32
    %dma_wait3A_236 = arith.constant 0 : i32
    %dma_wait3A_237 = tpu.memref_slice %arg6[%dma_wait3A_235, %dma_wait3A_236] : memref<2560x32xf32, #tpu.memory_space<vmem>> -> memref<128x32xf32, #tpu.memory_space<vmem>>
    %dma_wait3A_238 = arith.constant 1152 : i32
    %dma_wait3A_239 = tpu.memref_slice %arg5[%dma_wait3A_238] : memref<2560xi32, #tpu.memory_space<vmem>> -> memref<128xi32, #tpu.memory_space<vmem>>
    %dma_wait3A_240 = arith.constant 0 : i32
    %dma_wait3A_241 = arith.constant 0 : i32
    %dma_wait3A_242 = tpu.memref_slice %arg3[%dma_wait3A_240, %dma_wait3A_241] : memref<10000x32xf32, #tpu.memory_space<hbm>> -> memref<10000x32xf32, #tpu.memory_space<hbm>>
    tpu.wait_indirect_dma semaphore(%arg8 : memref<!tpu.dma_semaphore, #tpu.memory_space<semaphore_mem>>) src(%dma_wait3A_242 : memref<10000x32xf32, #tpu.memory_space<hbm>>) dst(%dma_wait3A_237 : memref<128x32xf32, #tpu.memory_space<vmem>>)
    %dma_wait3A_243 = arith.constant 1280 : i32
    %dma_wait3A_244 = arith.constant 0 : i32
    %dma_wait3A_245 = tpu.memref_slice %arg6[%dma_wait3A_243, %dma_wait3A_244] : memref<2560x32xf32, #tpu.memory_space<vmem>> -> memref<128x32xf32, #tpu.memory_space<vmem>>
    %dma_wait3A_246 = arith.constant 1280 : i32
    %dma_wait3A_247 = tpu.memref_slice %arg5[%dma_wait3A_246] : memref<2560xi32, #tpu.memory_space<vmem>> -> memref<128xi32, #tpu.memory_space<vmem>>
    %dma_wait3A_248 = arith.constant 0 : i32
    %dma_wait3A_249 = arith.constant 0 : i32
    %dma_wait3A_250 = tpu.memref_slice %arg3[%dma_wait3A_248, %dma_wait3A_249] : memref<10000x32xf32, #tpu.memory_space<hbm>> -> memref<10000x32xf32, #tpu.memory_space<hbm>>
    tpu.wait_indirect_dma semaphore(%arg8 : memref<!tpu.dma_semaphore, #tpu.memory_space<semaphore_mem>>) src(%dma_wait3A_250 : memref<10000x32xf32, #tpu.memory_space<hbm>>) dst(%dma_wait3A_245 : memref<128x32xf32, #tpu.memory_space<vmem>>)
    %dma_wait3A_251 = arith.constant 1408 : i32
    %dma_wait3A_252 = arith.constant 0 : i32
    %dma_wait3A_253 = tpu.memref_slice %arg6[%dma_wait3A_251, %dma_wait3A_252] : memref<2560x32xf32, #tpu.memory_space<vmem>> -> memref<128x32xf32, #tpu.memory_space<vmem>>
    %dma_wait3A_254 = arith.constant 1408 : i32
    %dma_wait3A_255 = tpu.memref_slice %arg5[%dma_wait3A_254] : memref<2560xi32, #tpu.memory_space<vmem>> -> memref<128xi32, #tpu.memory_space<vmem>>
    %dma_wait3A_256 = arith.constant 0 : i32
    %dma_wait3A_257 = arith.constant 0 : i32
    %dma_wait3A_258 = tpu.memref_slice %arg3[%dma_wait3A_256, %dma_wait3A_257] : memref<10000x32xf32, #tpu.memory_space<hbm>> -> memref<10000x32xf32, #tpu.memory_space<hbm>>
    tpu.wait_indirect_dma semaphore(%arg8 : memref<!tpu.dma_semaphore, #tpu.memory_space<semaphore_mem>>) src(%dma_wait3A_258 : memref<10000x32xf32, #tpu.memory_space<hbm>>) dst(%dma_wait3A_253 : memref<128x32xf32, #tpu.memory_space<vmem>>)
    %dma_wait3A_259 = arith.constant 1536 : i32
    %dma_wait3A_260 = arith.constant 0 : i32
    %dma_wait3A_261 = tpu.memref_slice %arg6[%dma_wait3A_259, %dma_wait3A_260] : memref<2560x32xf32, #tpu.memory_space<vmem>> -> memref<128x32xf32, #tpu.memory_space<vmem>>
    %dma_wait3A_262 = arith.constant 1536 : i32
    %dma_wait3A_263 = tpu.memref_slice %arg5[%dma_wait3A_262] : memref<2560xi32, #tpu.memory_space<vmem>> -> memref<128xi32, #tpu.memory_space<vmem>>
    %dma_wait3A_264 = arith.constant 0 : i32
    %dma_wait3A_265 = arith.constant 0 : i32
    %dma_wait3A_266 = tpu.memref_slice %arg3[%dma_wait3A_264, %dma_wait3A_265] : memref<10000x32xf32, #tpu.memory_space<hbm>> -> memref<10000x32xf32, #tpu.memory_space<hbm>>
    tpu.wait_indirect_dma semaphore(%arg8 : memref<!tpu.dma_semaphore, #tpu.memory_space<semaphore_mem>>) src(%dma_wait3A_266 : memref<10000x32xf32, #tpu.memory_space<hbm>>) dst(%dma_wait3A_261 : memref<128x32xf32, #tpu.memory_space<vmem>>)
    %dma_wait3A_267 = arith.constant 1664 : i32
    %dma_wait3A_268 = arith.constant 0 : i32
    %dma_wait3A_269 = tpu.memref_slice %arg6[%dma_wait3A_267, %dma_wait3A_268] : memref<2560x32xf32, #tpu.memory_space<vmem>> -> memref<128x32xf32, #tpu.memory_space<vmem>>
    %dma_wait3A_270 = arith.constant 1664 : i32
    %dma_wait3A_271 = tpu.memref_slice %arg5[%dma_wait3A_270] : memref<2560xi32, #tpu.memory_space<vmem>> -> memref<128xi32, #tpu.memory_space<vmem>>
    %dma_wait3A_272 = arith.constant 0 : i32
    %dma_wait3A_273 = arith.constant 0 : i32
    %dma_wait3A_274 = tpu.memref_slice %arg3[%dma_wait3A_272, %dma_wait3A_273] : memref<10000x32xf32, #tpu.memory_space<hbm>> -> memref<10000x32xf32, #tpu.memory_space<hbm>>
    tpu.wait_indirect_dma semaphore(%arg8 : memref<!tpu.dma_semaphore, #tpu.memory_space<semaphore_mem>>) src(%dma_wait3A_274 : memref<10000x32xf32, #tpu.memory_space<hbm>>) dst(%dma_wait3A_269 : memref<128x32xf32, #tpu.memory_space<vmem>>)
    %dma_wait3A_275 = arith.constant 1792 : i32
    %dma_wait3A_276 = arith.constant 0 : i32
    %dma_wait3A_277 = tpu.memref_slice %arg6[%dma_wait3A_275, %dma_wait3A_276] : memref<2560x32xf32, #tpu.memory_space<vmem>> -> memref<128x32xf32, #tpu.memory_space<vmem>>
    %dma_wait3A_278 = arith.constant 1792 : i32
    %dma_wait3A_279 = tpu.memref_slice %arg5[%dma_wait3A_278] : memref<2560xi32, #tpu.memory_space<vmem>> -> memref<128xi32, #tpu.memory_space<vmem>>
    %dma_wait3A_280 = arith.constant 0 : i32
    %dma_wait3A_281 = arith.constant 0 : i32
    %dma_wait3A_282 = tpu.memref_slice %arg3[%dma_wait3A_280, %dma_wait3A_281] : memref<10000x32xf32, #tpu.memory_space<hbm>> -> memref<10000x32xf32, #tpu.memory_space<hbm>>
    tpu.wait_indirect_dma semaphore(%arg8 : memref<!tpu.dma_semaphore, #tpu.memory_space<semaphore_mem>>) src(%dma_wait3A_282 : memref<10000x32xf32, #tpu.memory_space<hbm>>) dst(%dma_wait3A_277 : memref<128x32xf32, #tpu.memory_space<vmem>>)
    %dma_wait3A_283 = arith.constant 1920 : i32
    %dma_wait3A_284 = arith.constant 0 : i32
    %dma_wait3A_285 = tpu.memref_slice %arg6[%dma_wait3A_283, %dma_wait3A_284] : memref<2560x32xf32, #tpu.memory_space<vmem>> -> memref<128x32xf32, #tpu.memory_space<vmem>>
    %dma_wait3A_286 = arith.constant 1920 : i32
    %dma_wait3A_287 = tpu.memref_slice %arg5[%dma_wait3A_286] : memref<2560xi32, #tpu.memory_space<vmem>> -> memref<128xi32, #tpu.memory_space<vmem>>
    %dma_wait3A_288 = arith.constant 0 : i32
    %dma_wait3A_289 = arith.constant 0 : i32
    %dma_wait3A_290 = tpu.memref_slice %arg3[%dma_wait3A_288, %dma_wait3A_289] : memref<10000x32xf32, #tpu.memory_space<hbm>> -> memref<10000x32xf32, #tpu.memory_space<hbm>>
    tpu.wait_indirect_dma semaphore(%arg8 : memref<!tpu.dma_semaphore, #tpu.memory_space<semaphore_mem>>) src(%dma_wait3A_290 : memref<10000x32xf32, #tpu.memory_space<hbm>>) dst(%dma_wait3A_285 : memref<128x32xf32, #tpu.memory_space<vmem>>)
    %dma_wait3A_291 = arith.constant 2048 : i32
    %dma_wait3A_292 = arith.constant 0 : i32
    %dma_wait3A_293 = tpu.memref_slice %arg6[%dma_wait3A_291, %dma_wait3A_292] : memref<2560x32xf32, #tpu.memory_space<vmem>> -> memref<128x32xf32, #tpu.memory_space<vmem>>
    %dma_wait3A_294 = arith.constant 2048 : i32
    %dma_wait3A_295 = tpu.memref_slice %arg5[%dma_wait3A_294] : memref<2560xi32, #tpu.memory_space<vmem>> -> memref<128xi32, #tpu.memory_space<vmem>>
    %dma_wait3A_296 = arith.constant 0 : i32
    %dma_wait3A_297 = arith.constant 0 : i32
    %dma_wait3A_298 = tpu.memref_slice %arg3[%dma_wait3A_296, %dma_wait3A_297] : memref<10000x32xf32, #tpu.memory_space<hbm>> -> memref<10000x32xf32, #tpu.memory_space<hbm>>
    tpu.wait_indirect_dma semaphore(%arg8 : memref<!tpu.dma_semaphore, #tpu.memory_space<semaphore_mem>>) src(%dma_wait3A_298 : memref<10000x32xf32, #tpu.memory_space<hbm>>) dst(%dma_wait3A_293 : memref<128x32xf32, #tpu.memory_space<vmem>>)
    %dma_wait3A_299 = arith.constant 2176 : i32
    %dma_wait3A_300 = arith.constant 0 : i32
    %dma_wait3A_301 = tpu.memref_slice %arg6[%dma_wait3A_299, %dma_wait3A_300] : memref<2560x32xf32, #tpu.memory_space<vmem>> -> memref<128x32xf32, #tpu.memory_space<vmem>>
    %dma_wait3A_302 = arith.constant 2176 : i32
    %dma_wait3A_303 = tpu.memref_slice %arg5[%dma_wait3A_302] : memref<2560xi32, #tpu.memory_space<vmem>> -> memref<128xi32, #tpu.memory_space<vmem>>
    %dma_wait3A_304 = arith.constant 0 : i32
    %dma_wait3A_305 = arith.constant 0 : i32
    %dma_wait3A_306 = tpu.memref_slice %arg3[%dma_wait3A_304, %dma_wait3A_305] : memref<10000x32xf32, #tpu.memory_space<hbm>> -> memref<10000x32xf32, #tpu.memory_space<hbm>>
    tpu.wait_indirect_dma semaphore(%arg8 : memref<!tpu.dma_semaphore, #tpu.memory_space<semaphore_mem>>) src(%dma_wait3A_306 : memref<10000x32xf32, #tpu.memory_space<hbm>>) dst(%dma_wait3A_301 : memref<128x32xf32, #tpu.memory_space<vmem>>)
    %dma_wait3A_307 = arith.constant 2304 : i32
    %dma_wait3A_308 = arith.constant 0 : i32
    %dma_wait3A_309 = tpu.memref_slice %arg6[%dma_wait3A_307, %dma_wait3A_308] : memref<2560x32xf32, #tpu.memory_space<vmem>> -> memref<128x32xf32, #tpu.memory_space<vmem>>
    %dma_wait3A_310 = arith.constant 2304 : i32
    %dma_wait3A_311 = tpu.memref_slice %arg5[%dma_wait3A_310] : memref<2560xi32, #tpu.memory_space<vmem>> -> memref<128xi32, #tpu.memory_space<vmem>>
    %dma_wait3A_312 = arith.constant 0 : i32
    %dma_wait3A_313 = arith.constant 0 : i32
    %dma_wait3A_314 = tpu.memref_slice %arg3[%dma_wait3A_312, %dma_wait3A_313] : memref<10000x32xf32, #tpu.memory_space<hbm>> -> memref<10000x32xf32, #tpu.memory_space<hbm>>
    tpu.wait_indirect_dma semaphore(%arg8 : memref<!tpu.dma_semaphore, #tpu.memory_space<semaphore_mem>>) src(%dma_wait3A_314 : memref<10000x32xf32, #tpu.memory_space<hbm>>) dst(%dma_wait3A_309 : memref<128x32xf32, #tpu.memory_space<vmem>>)
    %dma_wait3A_315 = arith.constant 2432 : i32
    %dma_wait3A_316 = arith.constant 0 : i32
    %dma_wait3A_317 = tpu.memref_slice %arg6[%dma_wait3A_315, %dma_wait3A_316] : memref<2560x32xf32, #tpu.memory_space<vmem>> -> memref<128x32xf32, #tpu.memory_space<vmem>>
    %dma_wait3A_318 = arith.constant 2432 : i32
    %dma_wait3A_319 = tpu.memref_slice %arg5[%dma_wait3A_318] : memref<2560xi32, #tpu.memory_space<vmem>> -> memref<128xi32, #tpu.memory_space<vmem>>
    %dma_wait3A_320 = arith.constant 0 : i32
    %dma_wait3A_321 = arith.constant 0 : i32
    %dma_wait3A_322 = tpu.memref_slice %arg3[%dma_wait3A_320, %dma_wait3A_321] : memref<10000x32xf32, #tpu.memory_space<hbm>> -> memref<10000x32xf32, #tpu.memory_space<hbm>>
    tpu.wait_indirect_dma semaphore(%arg8 : memref<!tpu.dma_semaphore, #tpu.memory_space<semaphore_mem>>) src(%dma_wait3A_322 : memref<10000x32xf32, #tpu.memory_space<hbm>>) dst(%dma_wait3A_317 : memref<128x32xf32, #tpu.memory_space<vmem>>)
    %scan3A = arith.constant 0 : i32
    %scan3A_323 = arith.constant 0 : i32
    %scan3A_324 = arith.constant 128 : i32
    %scan3A_325 = arith.addi %scan3A_323, %scan3A_324 : i32
    %scan3A_326 = arith.constant 1 : i32
    scf.for %scan3A_328 = %scan3A_323 to %scan3A_325 step %scan3A_326  : i32 {
      %mul3A_329 = arith.constant 20 : i32
      %mul3A_330 = arith.muli %scan3A_328, %mul3A_329 : i32
      %get3A = arith.index_cast %mul3A_330 : i32 to index
      %get3A_331 = arith.constant 0 : index
      %get3A_332 = tpu.vector_load %arg6[%get3A, %get3A_331] {strides = array<i32>} : memref<2560x32xf32, #tpu.memory_space<vmem>>, vector<1x16xf32>,
      %get3A_333 = vector.shape_cast %get3A_332 : vector<1x16xf32> to vector<16xf32>
      %mul3A_334 = arith.constant 20 : i32
      %mul3A_335 = arith.muli %scan3A_328, %mul3A_334 : i32
      %add3A_336 = arith.constant 1 : i32
      %add3A_337 = arith.addi %mul3A_335, %add3A_336 : i32
      %get3A_338 = arith.index_cast %add3A_337 : i32 to index
      %get3A_339 = arith.constant 0 : index
      %get3A_340 = tpu.vector_load %arg6[%get3A_338, %get3A_339] {strides = array<i32>} : memref<2560x32xf32, #tpu.memory_space<vmem>>, vector<1x16xf32>,
      %get3A_341 = vector.shape_cast %get3A_340 : vector<1x16xf32> to vector<16xf32>
      %add3A_342 = arith.addf %get3A_333, %get3A_341 : vector<16xf32>
      %mul3A_343 = arith.constant 20 : i32
      %mul3A_344 = arith.muli %scan3A_328, %mul3A_343 : i32
      %add3A_345 = arith.constant 2 : i32
      %add3A_346 = arith.addi %mul3A_344, %add3A_345 : i32
      %get3A_347 = arith.index_cast %add3A_346 : i32 to index
      %get3A_348 = arith.constant 0 : index
      %get3A_349 = tpu.vector_load %arg6[%get3A_347, %get3A_348] {strides = array<i32>} : memref<2560x32xf32, #tpu.memory_space<vmem>>, vector<1x16xf32>,
      %get3A_350 = vector.shape_cast %get3A_349 : vector<1x16xf32> to vector<16xf32>
      %add3A_351 = arith.addf %add3A_342, %get3A_350 : vector<16xf32>
      %mul3A_352 = arith.constant 20 : i32
      %mul3A_353 = arith.muli %scan3A_328, %mul3A_352 : i32
      %add3A_354 = arith.constant 3 : i32
      %add3A_355 = arith.addi %mul3A_353, %add3A_354 : i32
      %get3A_356 = arith.index_cast %add3A_355 : i32 to index
      %get3A_357 = arith.constant 0 : index
      %get3A_358 = tpu.vector_load %arg6[%get3A_356, %get3A_357] {strides = array<i32>} : memref<2560x32xf32, #tpu.memory_space<vmem>>, vector<1x16xf32>,
      %get3A_359 = vector.shape_cast %get3A_358 : vector<1x16xf32> to vector<16xf32>
      %add3A_360 = arith.addf %add3A_351, %get3A_359 : vector<16xf32>
      %mul3A_361 = arith.constant 20 : i32
      %mul3A_362 = arith.muli %scan3A_328, %mul3A_361 : i32
      %add3A_363 = arith.constant 4 : i32
      %add3A_364 = arith.addi %mul3A_362, %add3A_363 : i32
      %get3A_365 = arith.index_cast %add3A_364 : i32 to index
      %get3A_366 = arith.constant 0 : index
      %get3A_367 = tpu.vector_load %arg6[%get3A_365, %get3A_366] {strides = array<i32>} : memref<2560x32xf32, #tpu.memory_space<vmem>>, vector<1x16xf32>,
      %get3A_368 = vector.shape_cast %get3A_367 : vector<1x16xf32> to vector<16xf32>
      %add3A_369 = arith.addf %add3A_360, %get3A_368 : vector<16xf32>
      %mul3A_370 = arith.constant 20 : i32
      %mul3A_371 = arith.muli %scan3A_328, %mul3A_370 : i32
      %add3A_372 = arith.constant 5 : i32
      %add3A_373 = arith.addi %mul3A_371, %add3A_372 : i32
      %get3A_374 = arith.index_cast %add3A_373 : i32 to index
      %get3A_375 = arith.constant 0 : index
      %get3A_376 = tpu.vector_load %arg6[%get3A_374, %get3A_375] {strides = array<i32>} : memref<2560x32xf32, #tpu.memory_space<vmem>>, vector<1x16xf32>,
      %get3A_377 = vector.shape_cast %get3A_376 : vector<1x16xf32> to vector<16xf32>
      %add3A_378 = arith.addf %add3A_369, %get3A_377 : vector<16xf32>
      %mul3A_379 = arith.constant 20 : i32
      %mul3A_380 = arith.muli %scan3A_328, %mul3A_379 : i32
      %add3A_381 = arith.constant 6 : i32
      %add3A_382 = arith.addi %mul3A_380, %add3A_381 : i32
      %get3A_383 = arith.index_cast %add3A_382 : i32 to index
      %get3A_384 = arith.constant 0 : index
      %get3A_385 = tpu.vector_load %arg6[%get3A_383, %get3A_384] {strides = array<i32>} : memref<2560x32xf32, #tpu.memory_space<vmem>>, vector<1x16xf32>,
      %get3A_386 = vector.shape_cast %get3A_385 : vector<1x16xf32> to vector<16xf32>
      %add3A_387 = arith.addf %add3A_378, %get3A_386 : vector<16xf32>
      %mul3A_388 = arith.constant 20 : i32
      %mul3A_389 = arith.muli %scan3A_328, %mul3A_388 : i32
      %add3A_390 = arith.constant 7 : i32
      %add3A_391 = arith.addi %mul3A_389, %add3A_390 : i32
      %get3A_392 = arith.index_cast %add3A_391 : i32 to index
      %get3A_393 = arith.constant 0 : index
      %get3A_394 = tpu.vector_load %arg6[%get3A_392, %get3A_393] {strides = array<i32>} : memref<2560x32xf32, #tpu.memory_space<vmem>>, vector<1x16xf32>,
      %get3A_395 = vector.shape_cast %get3A_394 : vector<1x16xf32> to vector<16xf32>
      %add3A_396 = arith.addf %add3A_387, %get3A_395 : vector<16xf32>
      %mul3A_397 = arith.constant 20 : i32
      %mul3A_398 = arith.muli %scan3A_328, %mul3A_397 : i32
      %add3A_399 = arith.constant 8 : i32
      %add3A_400 = arith.addi %mul3A_398, %add3A_399 : i32
      %get3A_401 = arith.index_cast %add3A_400 : i32 to index
      %get3A_402 = arith.constant 0 : index
      %get3A_403 = tpu.vector_load %arg6[%get3A_401, %get3A_402] {strides = array<i32>} : memref<2560x32xf32, #tpu.memory_space<vmem>>, vector<1x16xf32>,
      %get3A_404 = vector.shape_cast %get3A_403 : vector<1x16xf32> to vector<16xf32>
      %add3A_405 = arith.addf %add3A_396, %get3A_404 : vector<16xf32>
      %mul3A_406 = arith.constant 20 : i32
      %mul3A_407 = arith.muli %scan3A_328, %mul3A_406 : i32
      %add3A_408 = arith.constant 9 : i32
      %add3A_409 = arith.addi %mul3A_407, %add3A_408 : i32
      %get3A_410 = arith.index_cast %add3A_409 : i32 to index
      %get3A_411 = arith.constant 0 : index
      %get3A_412 = tpu.vector_load %arg6[%get3A_410, %get3A_411] {strides = array<i32>} : memref<2560x32xf32, #tpu.memory_space<vmem>>, vector<1x16xf32>,
      %get3A_413 = vector.shape_cast %get3A_412 : vector<1x16xf32> to vector<16xf32>
      %add3A_414 = arith.addf %add3A_405, %get3A_413 : vector<16xf32>
      %mul3A_415 = arith.constant 20 : i32
      %mul3A_416 = arith.muli %scan3A_328, %mul3A_415 : i32
      %add3A_417 = arith.constant 10 : i32
      %add3A_418 = arith.addi %mul3A_416, %add3A_417 : i32
      %get3A_419 = arith.index_cast %add3A_418 : i32 to index
      %get3A_420 = arith.constant 0 : index
      %get3A_421 = tpu.vector_load %arg6[%get3A_419, %get3A_420] {strides = array<i32>} : memref<2560x32xf32, #tpu.memory_space<vmem>>, vector<1x16xf32>,
      %get3A_422 = vector.shape_cast %get3A_421 : vector<1x16xf32> to vector<16xf32>
      %add3A_423 = arith.addf %add3A_414, %get3A_422 : vector<16xf32>
      %mul3A_424 = arith.constant 20 : i32
      %mul3A_425 = arith.muli %scan3A_328, %mul3A_424 : i32
      %add3A_426 = arith.constant 11 : i32
      %add3A_427 = arith.addi %mul3A_425, %add3A_426 : i32
      %get3A_428 = arith.index_cast %add3A_427 : i32 to index
      %get3A_429 = arith.constant 0 : index
      %get3A_430 = tpu.vector_load %arg6[%get3A_428, %get3A_429] {strides = array<i32>} : memref<2560x32xf32, #tpu.memory_space<vmem>>, vector<1x16xf32>,
      %get3A_431 = vector.shape_cast %get3A_430 : vector<1x16xf32> to vector<16xf32>
      %add3A_432 = arith.addf %add3A_423, %get3A_431 : vector<16xf32>
      %mul3A_433 = arith.constant 20 : i32
      %mul3A_434 = arith.muli %scan3A_328, %mul3A_433 : i32
      %add3A_435 = arith.constant 12 : i32
      %add3A_436 = arith.addi %mul3A_434, %add3A_435 : i32
      %get3A_437 = arith.index_cast %add3A_436 : i32 to index
      %get3A_438 = arith.constant 0 : index
      %get3A_439 = tpu.vector_load %arg6[%get3A_437, %get3A_438] {strides = array<i32>} : memref<2560x32xf32, #tpu.memory_space<vmem>>, vector<1x16xf32>,
      %get3A_440 = vector.shape_cast %get3A_439 : vector<1x16xf32> to vector<16xf32>
      %add3A_441 = arith.addf %add3A_432, %get3A_440 : vector<16xf32>
      %mul3A_442 = arith.constant 20 : i32
      %mul3A_443 = arith.muli %scan3A_328, %mul3A_442 : i32
      %add3A_444 = arith.constant 13 : i32
      %add3A_445 = arith.addi %mul3A_443, %add3A_444 : i32
      %get3A_446 = arith.index_cast %add3A_445 : i32 to index
      %get3A_447 = arith.constant 0 : index
      %get3A_448 = tpu.vector_load %arg6[%get3A_446, %get3A_447] {strides = array<i32>} : memref<2560x32xf32, #tpu.memory_space<vmem>>, vector<1x16xf32>,
      %get3A_449 = vector.shape_cast %get3A_448 : vector<1x16xf32> to vector<16xf32>
      %add3A_450 = arith.addf %add3A_441, %get3A_449 : vector<16xf32>
      %mul3A_451 = arith.constant 20 : i32
      %mul3A_452 = arith.muli %scan3A_328, %mul3A_451 : i32
      %add3A_453 = arith.constant 14 : i32
      %add3A_454 = arith.addi %mul3A_452, %add3A_453 : i32
      %get3A_455 = arith.index_cast %add3A_454 : i32 to index
      %get3A_456 = arith.constant 0 : index
      %get3A_457 = tpu.vector_load %arg6[%get3A_455, %get3A_456] {strides = array<i32>} : memref<2560x32xf32, #tpu.memory_space<vmem>>, vector<1x16xf32>,
      %get3A_458 = vector.shape_cast %get3A_457 : vector<1x16xf32> to vector<16xf32>
      %add3A_459 = arith.addf %add3A_450, %get3A_458 : vector<16xf32>
      %mul3A_460 = arith.constant 20 : i32
      %mul3A_461 = arith.muli %scan3A_328, %mul3A_460 : i32
      %add3A_462 = arith.constant 15 : i32
      %add3A_463 = arith.addi %mul3A_461, %add3A_462 : i32
      %get3A_464 = arith.index_cast %add3A_463 : i32 to index
      %get3A_465 = arith.constant 0 : index
      %get3A_466 = tpu.vector_load %arg6[%get3A_464, %get3A_465] {strides = array<i32>} : memref<2560x32xf32, #tpu.memory_space<vmem>>, vector<1x16xf32>,
      %get3A_467 = vector.shape_cast %get3A_466 : vector<1x16xf32> to vector<16xf32>
      %add3A_468 = arith.addf %add3A_459, %get3A_467 : vector<16xf32>
      %mul3A_469 = arith.constant 20 : i32
      %mul3A_470 = arith.muli %scan3A_328, %mul3A_469 : i32
      %add3A_471 = arith.constant 16 : i32
      %add3A_472 = arith.addi %mul3A_470, %add3A_471 : i32
      %get3A_473 = arith.index_cast %add3A_472 : i32 to index
      %get3A_474 = arith.constant 0 : index
      %get3A_475 = tpu.vector_load %arg6[%get3A_473, %get3A_474] {strides = array<i32>} : memref<2560x32xf32, #tpu.memory_space<vmem>>, vector<1x16xf32>,
      %get3A_476 = vector.shape_cast %get3A_475 : vector<1x16xf32> to vector<16xf32>
      %add3A_477 = arith.addf %add3A_468, %get3A_476 : vector<16xf32>
      %mul3A_478 = arith.constant 20 : i32
      %mul3A_479 = arith.muli %scan3A_328, %mul3A_478 : i32
      %add3A_480 = arith.constant 17 : i32
      %add3A_481 = arith.addi %mul3A_479, %add3A_480 : i32
      %get3A_482 = arith.index_cast %add3A_481 : i32 to index
      %get3A_483 = arith.constant 0 : index
      %get3A_484 = tpu.vector_load %arg6[%get3A_482, %get3A_483] {strides = array<i32>} : memref<2560x32xf32, #tpu.memory_space<vmem>>, vector<1x16xf32>,
      %get3A_485 = vector.shape_cast %get3A_484 : vector<1x16xf32> to vector<16xf32>
      %add3A_486 = arith.addf %add3A_477, %get3A_485 : vector<16xf32>
      %mul3A_487 = arith.constant 20 : i32
      %mul3A_488 = arith.muli %scan3A_328, %mul3A_487 : i32
      %add3A_489 = arith.constant 18 : i32
      %add3A_490 = arith.addi %mul3A_488, %add3A_489 : i32
      %get3A_491 = arith.index_cast %add3A_490 : i32 to index
      %get3A_492 = arith.constant 0 : index
      %get3A_493 = tpu.vector_load %arg6[%get3A_491, %get3A_492] {strides = array<i32>} : memref<2560x32xf32, #tpu.memory_space<vmem>>, vector<1x16xf32>,
      %get3A_494 = vector.shape_cast %get3A_493 : vector<1x16xf32> to vector<16xf32>
      %add3A_495 = arith.addf %add3A_486, %get3A_494 : vector<16xf32>
      %mul3A_496 = arith.constant 20 : i32
      %mul3A_497 = arith.muli %scan3A_328, %mul3A_496 : i32
      %add3A_498 = arith.constant 19 : i32
      %add3A_499 = arith.addi %mul3A_497, %add3A_498 : i32
      %get3A_500 = arith.index_cast %add3A_499 : i32 to index
      %get3A_501 = arith.constant 0 : index
      %get3A_502 = tpu.vector_load %arg6[%get3A_500, %get3A_501] {strides = array<i32>} : memref<2560x32xf32, #tpu.memory_space<vmem>>, vector<1x16xf32>,
      %get3A_503 = vector.shape_cast %get3A_502 : vector<1x16xf32> to vector<16xf32>
      %add3A_504 = arith.addf %add3A_495, %get3A_503 : vector<16xf32>
      %swap3A = arith.index_cast %scan3A_328 : i32 to index
      %swap3A_505 = arith.constant 0 : index
      %swap3A_506 = tpu.vector_load %arg7[%swap3A, %swap3A_505] {strides = array<i32>} : memref<128x32xf32, #tpu.memory_space<vmem>>, vector<1x16xf32>,
      %swap3A_507 = vector.shape_cast %swap3A_506 : vector<1x16xf32> to vector<16xf32>
      %swap3A_508 = vector.shape_cast %add3A_504 : vector<16xf32> to vector<1x16xf32>
      tpu.vector_store %arg7[%swap3A, %swap3A_505], %swap3A_508 {strides = array<i32>} : memref<128x32xf32, #tpu.memory_space<vmem>>, vector<1x16xf32>,
      %mul3A_509 = arith.constant 20 : i32
      %mul3A_510 = arith.muli %scan3A_328, %mul3A_509 : i32
      %get3A_511 = arith.index_cast %mul3A_510 : i32 to index
      %get3A_512 = arith.constant 16 : index
      %get3A_513 = tpu.vector_load %arg6[%get3A_511, %get3A_512] {strides = array<i32>} : memref<2560x32xf32, #tpu.memory_space<vmem>>, vector<1x16xf32>,
      %get3A_514 = vector.shape_cast %get3A_513 : vector<1x16xf32> to vector<16xf32>
      %mul3A_515 = arith.constant 20 : i32
      %mul3A_516 = arith.muli %scan3A_328, %mul3A_515 : i32
      %add3A_517 = arith.constant 1 : i32
      %add3A_518 = arith.addi %mul3A_516, %add3A_517 : i32
      %get3A_519 = arith.index_cast %add3A_518 : i32 to index
      %get3A_520 = arith.constant 16 : index
      %get3A_521 = tpu.vector_load %arg6[%get3A_519, %get3A_520] {strides = array<i32>} : memref<2560x32xf32, #tpu.memory_space<vmem>>, vector<1x16xf32>,
      %get3A_522 = vector.shape_cast %get3A_521 : vector<1x16xf32> to vector<16xf32>
      %add3A_523 = arith.addf %get3A_514, %get3A_522 : vector<16xf32>
      %mul3A_524 = arith.constant 20 : i32
      %mul3A_525 = arith.muli %scan3A_328, %mul3A_524 : i32
      %add3A_526 = arith.constant 2 : i32
      %add3A_527 = arith.addi %mul3A_525, %add3A_526 : i32
      %get3A_528 = arith.index_cast %add3A_527 : i32 to index
      %get3A_529 = arith.constant 16 : index
      %get3A_530 = tpu.vector_load %arg6[%get3A_528, %get3A_529] {strides = array<i32>} : memref<2560x32xf32, #tpu.memory_space<vmem>>, vector<1x16xf32>,
      %get3A_531 = vector.shape_cast %get3A_530 : vector<1x16xf32> to vector<16xf32>
      %add3A_532 = arith.addf %add3A_523, %get3A_531 : vector<16xf32>
      %mul3A_533 = arith.constant 20 : i32
      %mul3A_534 = arith.muli %scan3A_328, %mul3A_533 : i32
      %add3A_535 = arith.constant 3 : i32
      %add3A_536 = arith.addi %mul3A_534, %add3A_535 : i32
      %get3A_537 = arith.index_cast %add3A_536 : i32 to index
      %get3A_538 = arith.constant 16 : index
      %get3A_539 = tpu.vector_load %arg6[%get3A_537, %get3A_538] {strides = array<i32>} : memref<2560x32xf32, #tpu.memory_space<vmem>>, vector<1x16xf32>,
      %get3A_540 = vector.shape_cast %get3A_539 : vector<1x16xf32> to vector<16xf32>
      %add3A_541 = arith.addf %add3A_532, %get3A_540 : vector<16xf32>
      %mul3A_542 = arith.constant 20 : i32
      %mul3A_543 = arith.muli %scan3A_328, %mul3A_542 : i32
      %add3A_544 = arith.constant 4 : i32
      %add3A_545 = arith.addi %mul3A_543, %add3A_544 : i32
      %get3A_546 = arith.index_cast %add3A_545 : i32 to index
      %get3A_547 = arith.constant 16 : index
      %get3A_548 = tpu.vector_load %arg6[%get3A_546, %get3A_547] {strides = array<i32>} : memref<2560x32xf32, #tpu.memory_space<vmem>>, vector<1x16xf32>,
      %get3A_549 = vector.shape_cast %get3A_548 : vector<1x16xf32> to vector<16xf32>
      %add3A_550 = arith.addf %add3A_541, %get3A_549 : vector<16xf32>
      %mul3A_551 = arith.constant 20 : i32
      %mul3A_552 = arith.muli %scan3A_328, %mul3A_551 : i32
      %add3A_553 = arith.constant 5 : i32
      %add3A_554 = arith.addi %mul3A_552, %add3A_553 : i32
      %get3A_555 = arith.index_cast %add3A_554 : i32 to index
      %get3A_556 = arith.constant 16 : index
      %get3A_557 = tpu.vector_load %arg6[%get3A_555, %get3A_556] {strides = array<i32>} : memref<2560x32xf32, #tpu.memory_space<vmem>>, vector<1x16xf32>,
      %get3A_558 = vector.shape_cast %get3A_557 : vector<1x16xf32> to vector<16xf32>
      %add3A_559 = arith.addf %add3A_550, %get3A_558 : vector<16xf32>
      %mul3A_560 = arith.constant 20 : i32
      %mul3A_561 = arith.muli %scan3A_328, %mul3A_560 : i32
      %add3A_562 = arith.constant 6 : i32
      %add3A_563 = arith.addi %mul3A_561, %add3A_562 : i32
      %get3A_564 = arith.index_cast %add3A_563 : i32 to index
      %get3A_565 = arith.constant 16 : index
      %get3A_566 = tpu.vector_load %arg6[%get3A_564, %get3A_565] {strides = array<i32>} : memref<2560x32xf32, #tpu.memory_space<vmem>>, vector<1x16xf32>,
      %get3A_567 = vector.shape_cast %get3A_566 : vector<1x16xf32> to vector<16xf32>
      %add3A_568 = arith.addf %add3A_559, %get3A_567 : vector<16xf32>
      %mul3A_569 = arith.constant 20 : i32
      %mul3A_570 = arith.muli %scan3A_328, %mul3A_569 : i32
      %add3A_571 = arith.constant 7 : i32
      %add3A_572 = arith.addi %mul3A_570, %add3A_571 : i32
      %get3A_573 = arith.index_cast %add3A_572 : i32 to index
      %get3A_574 = arith.constant 16 : index
      %get3A_575 = tpu.vector_load %arg6[%get3A_573, %get3A_574] {strides = array<i32>} : memref<2560x32xf32, #tpu.memory_space<vmem>>, vector<1x16xf32>,
      %get3A_576 = vector.shape_cast %get3A_575 : vector<1x16xf32> to vector<16xf32>
      %add3A_577 = arith.addf %add3A_568, %get3A_576 : vector<16xf32>
      %mul3A_578 = arith.constant 20 : i32
      %mul3A_579 = arith.muli %scan3A_328, %mul3A_578 : i32
      %add3A_580 = arith.constant 8 : i32
      %add3A_581 = arith.addi %mul3A_579, %add3A_580 : i32
      %get3A_582 = arith.index_cast %add3A_581 : i32 to index
      %get3A_583 = arith.constant 16 : index
      %get3A_584 = tpu.vector_load %arg6[%get3A_582, %get3A_583] {strides = array<i32>} : memref<2560x32xf32, #tpu.memory_space<vmem>>, vector<1x16xf32>,
      %get3A_585 = vector.shape_cast %get3A_584 : vector<1x16xf32> to vector<16xf32>
      %add3A_586 = arith.addf %add3A_577, %get3A_585 : vector<16xf32>
      %mul3A_587 = arith.constant 20 : i32
      %mul3A_588 = arith.muli %scan3A_328, %mul3A_587 : i32
      %add3A_589 = arith.constant 9 : i32
      %add3A_590 = arith.addi %mul3A_588, %add3A_589 : i32
      %get3A_591 = arith.index_cast %add3A_590 : i32 to index
      %get3A_592 = arith.constant 16 : index
      %get3A_593 = tpu.vector_load %arg6[%get3A_591, %get3A_592] {strides = array<i32>} : memref<2560x32xf32, #tpu.memory_space<vmem>>, vector<1x16xf32>,
      %get3A_594 = vector.shape_cast %get3A_593 : vector<1x16xf32> to vector<16xf32>
      %add3A_595 = arith.addf %add3A_586, %get3A_594 : vector<16xf32>
      %mul3A_596 = arith.constant 20 : i32
      %mul3A_597 = arith.muli %scan3A_328, %mul3A_596 : i32
      %add3A_598 = arith.constant 10 : i32
      %add3A_599 = arith.addi %mul3A_597, %add3A_598 : i32
      %get3A_600 = arith.index_cast %add3A_599 : i32 to index
      %get3A_601 = arith.constant 16 : index
      %get3A_602 = tpu.vector_load %arg6[%get3A_600, %get3A_601] {strides = array<i32>} : memref<2560x32xf32, #tpu.memory_space<vmem>>, vector<1x16xf32>,
      %get3A_603 = vector.shape_cast %get3A_602 : vector<1x16xf32> to vector<16xf32>
      %add3A_604 = arith.addf %add3A_595, %get3A_603 : vector<16xf32>
      %mul3A_605 = arith.constant 20 : i32
      %mul3A_606 = arith.muli %scan3A_328, %mul3A_605 : i32
      %add3A_607 = arith.constant 11 : i32
      %add3A_608 = arith.addi %mul3A_606, %add3A_607 : i32
      %get3A_609 = arith.index_cast %add3A_608 : i32 to index
      %get3A_610 = arith.constant 16 : index
      %get3A_611 = tpu.vector_load %arg6[%get3A_609, %get3A_610] {strides = array<i32>} : memref<2560x32xf32, #tpu.memory_space<vmem>>, vector<1x16xf32>,
      %get3A_612 = vector.shape_cast %get3A_611 : vector<1x16xf32> to vector<16xf32>
      %add3A_613 = arith.addf %add3A_604, %get3A_612 : vector<16xf32>
      %mul3A_614 = arith.constant 20 : i32
      %mul3A_615 = arith.muli %scan3A_328, %mul3A_614 : i32
      %add3A_616 = arith.constant 12 : i32
      %add3A_617 = arith.addi %mul3A_615, %add3A_616 : i32
      %get3A_618 = arith.index_cast %add3A_617 : i32 to index
      %get3A_619 = arith.constant 16 : index
      %get3A_620 = tpu.vector_load %arg6[%get3A_618, %get3A_619] {strides = array<i32>} : memref<2560x32xf32, #tpu.memory_space<vmem>>, vector<1x16xf32>,
      %get3A_621 = vector.shape_cast %get3A_620 : vector<1x16xf32> to vector<16xf32>
      %add3A_622 = arith.addf %add3A_613, %get3A_621 : vector<16xf32>
      %mul3A_623 = arith.constant 20 : i32
      %mul3A_624 = arith.muli %scan3A_328, %mul3A_623 : i32
      %add3A_625 = arith.constant 13 : i32
      %add3A_626 = arith.addi %mul3A_624, %add3A_625 : i32
      %get3A_627 = arith.index_cast %add3A_626 : i32 to index
      %get3A_628 = arith.constant 16 : index
      %get3A_629 = tpu.vector_load %arg6[%get3A_627, %get3A_628] {strides = array<i32>} : memref<2560x32xf32, #tpu.memory_space<vmem>>, vector<1x16xf32>,
      %get3A_630 = vector.shape_cast %get3A_629 : vector<1x16xf32> to vector<16xf32>
      %add3A_631 = arith.addf %add3A_622, %get3A_630 : vector<16xf32>
      %mul3A_632 = arith.constant 20 : i32
      %mul3A_633 = arith.muli %scan3A_328, %mul3A_632 : i32
      %add3A_634 = arith.constant 14 : i32
      %add3A_635 = arith.addi %mul3A_633, %add3A_634 : i32
      %get3A_636 = arith.index_cast %add3A_635 : i32 to index
      %get3A_637 = arith.constant 16 : index
      %get3A_638 = tpu.vector_load %arg6[%get3A_636, %get3A_637] {strides = array<i32>} : memref<2560x32xf32, #tpu.memory_space<vmem>>, vector<1x16xf32>,
      %get3A_639 = vector.shape_cast %get3A_638 : vector<1x16xf32> to vector<16xf32>
      %add3A_640 = arith.addf %add3A_631, %get3A_639 : vector<16xf32>
      %mul3A_641 = arith.constant 20 : i32
      %mul3A_642 = arith.muli %scan3A_328, %mul3A_641 : i32
      %add3A_643 = arith.constant 15 : i32
      %add3A_644 = arith.addi %mul3A_642, %add3A_643 : i32
      %get3A_645 = arith.index_cast %add3A_644 : i32 to index
      %get3A_646 = arith.constant 16 : index
      %get3A_647 = tpu.vector_load %arg6[%get3A_645, %get3A_646] {strides = array<i32>} : memref<2560x32xf32, #tpu.memory_space<vmem>>, vector<1x16xf32>,
      %get3A_648 = vector.shape_cast %get3A_647 : vector<1x16xf32> to vector<16xf32>
      %add3A_649 = arith.addf %add3A_640, %get3A_648 : vector<16xf32>
      %mul3A_650 = arith.constant 20 : i32
      %mul3A_651 = arith.muli %scan3A_328, %mul3A_650 : i32
      %add3A_652 = arith.constant 16 : i32
      %add3A_653 = arith.addi %mul3A_651, %add3A_652 : i32
      %get3A_654 = arith.index_cast %add3A_653 : i32 to index
      %get3A_655 = arith.constant 16 : index
      %get3A_656 = tpu.vector_load %arg6[%get3A_654, %get3A_655] {strides = array<i32>} : memref<2560x32xf32, #tpu.memory_space<vmem>>, vector<1x16xf32>,
      %get3A_657 = vector.shape_cast %get3A_656 : vector<1x16xf32> to vector<16xf32>
      %add3A_658 = arith.addf %add3A_649, %get3A_657 : vector<16xf32>
      %mul3A_659 = arith.constant 20 : i32
      %mul3A_660 = arith.muli %scan3A_328, %mul3A_659 : i32
      %add3A_661 = arith.constant 17 : i32
      %add3A_662 = arith.addi %mul3A_660, %add3A_661 : i32
      %get3A_663 = arith.index_cast %add3A_662 : i32 to index
      %get3A_664 = arith.constant 16 : index
      %get3A_665 = tpu.vector_load %arg6[%get3A_663, %get3A_664] {strides = array<i32>} : memref<2560x32xf32, #tpu.memory_space<vmem>>, vector<1x16xf32>,
      %get3A_666 = vector.shape_cast %get3A_665 : vector<1x16xf32> to vector<16xf32>
      %add3A_667 = arith.addf %add3A_658, %get3A_666 : vector<16xf32>
      %mul3A_668 = arith.constant 20 : i32
      %mul3A_669 = arith.muli %scan3A_328, %mul3A_668 : i32
      %add3A_670 = arith.constant 18 : i32
      %add3A_671 = arith.addi %mul3A_669, %add3A_670 : i32
      %get3A_672 = arith.index_cast %add3A_671 : i32 to index
      %get3A_673 = arith.constant 16 : index
      %get3A_674 = tpu.vector_load %arg6[%get3A_672, %get3A_673] {strides = array<i32>} : memref<2560x32xf32, #tpu.memory_space<vmem>>, vector<1x16xf32>,
      %get3A_675 = vector.shape_cast %get3A_674 : vector<1x16xf32> to vector<16xf32>
      %add3A_676 = arith.addf %add3A_667, %get3A_675 : vector<16xf32>
      %mul3A_677 = arith.constant 20 : i32
      %mul3A_678 = arith.muli %scan3A_328, %mul3A_677 : i32
      %add3A_679 = arith.constant 19 : i32
      %add3A_680 = arith.addi %mul3A_678, %add3A_679 : i32
      %get3A_681 = arith.index_cast %add3A_680 : i32 to index
      %get3A_682 = arith.constant 16 : index
      %get3A_683 = tpu.vector_load %arg6[%get3A_681, %get3A_682] {strides = array<i32>} : memref<2560x32xf32, #tpu.memory_space<vmem>>, vector<1x16xf32>,
      %get3A_684 = vector.shape_cast %get3A_683 : vector<1x16xf32> to vector<16xf32>
      %add3A_685 = arith.addf %add3A_676, %get3A_684 : vector<16xf32>
      %swap3A_686 = arith.index_cast %scan3A_328 : i32 to index
      %swap3A_687 = arith.constant 16 : index
      %swap3A_688 = tpu.vector_load %arg7[%swap3A_686, %swap3A_687] {strides = array<i32>} : memref<128x32xf32, #tpu.memory_space<vmem>>, vector<1x16xf32>,
      %swap3A_689 = vector.shape_cast %swap3A_688 : vector<1x16xf32> to vector<16xf32>
      %swap3A_690 = vector.shape_cast %add3A_685 : vector<16xf32> to vector<1x16xf32>
      tpu.vector_store %arg7[%swap3A_686, %swap3A_687], %swap3A_690 {strides = array<i32>} : memref<128x32xf32, #tpu.memory_space<vmem>>, vector<1x16xf32>,
    }
    %scan3A_327 = arith.constant 128 : i32
    "tpu.region"() ({
      %run_scoped3A = tpu.sem_alloc : memref<!tpu.dma_semaphore, #tpu.memory_space<semaphore_mem>>
      %dma_start3A_328 = arith.constant 0 : i32
      %dma_start3A_329 = tpu.memref_slice %arg4[%mul3A_2, %dma_start3A_328] : memref<4096x128xf32, #tpu.memory_space<hbm>> -> memref<128x32xf32, #tpu.memory_space<hbm>>
      %dma_start3A_330 = arith.constant 0 : i32
      %dma_start3A_331 = tpu.memref_slice %arg4[%mul3A_2, %dma_start3A_330] : memref<4096x128xf32, #tpu.memory_space<hbm>> -> memref<128x32xf32, #tpu.memory_space<hbm>>
      tpu.enqueue_dma source(%arg7 : memref<128x32xf32, #tpu.memory_space<vmem>>) target(%dma_start3A_331 : memref<128x32xf32, #tpu.memory_space<hbm>>) target_semaphore(%run_scoped3A : memref<!tpu.dma_semaphore, #tpu.memory_space<semaphore_mem>>)
      %dma_wait3A_332 = arith.constant 0 : i32
      %dma_wait3A_333 = tpu.memref_slice %arg4[%mul3A_2, %dma_wait3A_332] : memref<4096x128xf32, #tpu.memory_space<hbm>> -> memref<128x32xf32, #tpu.memory_space<hbm>>
      %dma_wait3A_334 = arith.constant 0 : i32
      %dma_wait3A_335 = tpu.memref_slice %arg4[%mul3A_2, %dma_wait3A_334] : memref<4096x128xf32, #tpu.memory_space<hbm>> -> memref<128x32xf32, #tpu.memory_space<hbm>>
      tpu.wait_dma2 semaphore(%run_scoped3A : memref<!tpu.dma_semaphore, #tpu.memory_space<semaphore_mem>>) src(%arg7 : memref<128x32xf32, #tpu.memory_space<vmem>>) dst(%dma_wait3A_335 : memref<128x32xf32, #tpu.memory_space<hbm>>)
      tpu.yield
    }) : () -> ()
    return
  }
}

#map = affine_map<(d0, d1) -> (0)>
#map1 = affine_map<(d0, d1) -> (0, 0)>
module attributes {stable_mosaic.version = 14 : i64} {
  func.func @movie_kernel(%arg0: i32, %arg1: i32, %arg2: memref<4096xi32, #tpu.memory_space<hbm>>, %arg3: memref<100001x32xf32, #tpu.memory_space<hbm>>, %arg4: memref<4096x128xf32, #tpu.memory_space<hbm>>, %arg5: memref<128xi32, #tpu.memory_space<vmem>>, %arg6: memref<128x32xf32, #tpu.memory_space<vmem>>, %arg7: memref<!tpu.dma_semaphore, #tpu.memory_space<semaphore_mem>>) attributes {dimension_semantics = [#tpu.dimension_semantics<core_parallel>, #tpu.dimension_semantics<subcore_parallel>], iteration_bounds = array<i64: 2, 16>, scalar_prefetch = 0 : i64, scratch_operands = 3 : i64, tpu.core_type = #tpu.core_type<sc_vector_subcore>, window_params = [{transform_indices = #map}, {transform_indices = #map1}, {transform_indices = #map1}]} {
    %mul3A = arith.constant 2 : i32
    %mul3A_0 = arith.muli %arg1, %mul3A : i32
    %add3A = arith.addi %mul3A_0, %arg0 : i32
    %mul3A_1 = arith.constant 128 : i32
    %mul3A_2 = arith.muli %add3A, %mul3A_1 : i32
    "tpu.region"() ({
      %run_scoped3A = tpu.sem_alloc : memref<!tpu.dma_semaphore, #tpu.memory_space<semaphore_mem>>
      %dma_start3A_7 = tpu.memref_slice %arg2[%mul3A_2] : memref<4096xi32, #tpu.memory_space<hbm>> -> memref<128xi32, #tpu.memory_space<hbm>>
      %dma_start3A_8 = tpu.memref_slice %arg2[%mul3A_2] : memref<4096xi32, #tpu.memory_space<hbm>> -> memref<128xi32, #tpu.memory_space<hbm>>
      tpu.enqueue_dma source(%dma_start3A_8 : memref<128xi32, #tpu.memory_space<hbm>>) target(%arg5 : memref<128xi32, #tpu.memory_space<vmem>>) target_semaphore(%run_scoped3A : memref<!tpu.dma_semaphore, #tpu.memory_space<semaphore_mem>>)
      %dma_wait3A_9 = tpu.memref_slice %arg2[%mul3A_2] : memref<4096xi32, #tpu.memory_space<hbm>> -> memref<128xi32, #tpu.memory_space<hbm>>
      %dma_wait3A_10 = tpu.memref_slice %arg2[%mul3A_2] : memref<4096xi32, #tpu.memory_space<hbm>> -> memref<128xi32, #tpu.memory_space<hbm>>
      tpu.wait_dma2 semaphore(%run_scoped3A : memref<!tpu.dma_semaphore, #tpu.memory_space<semaphore_mem>>) src(%dma_wait3A_10 : memref<128xi32, #tpu.memory_space<hbm>>) dst(%arg5 : memref<128xi32, #tpu.memory_space<vmem>>)
      tpu.yield
    }) : () -> ()
    %dma_start3A = arith.constant 0 : i32
    %dma_start3A_3 = arith.constant 0 : i32
    %dma_start3A_4 = tpu.memref_slice %arg3[%dma_start3A, %dma_start3A_3] : memref<100001x32xf32, #tpu.memory_space<hbm>> -> memref<100001x32xf32, #tpu.memory_space<hbm>>
    tpu.enqueue_indirect_dma source(%dma_start3A_4 : memref<100001x32xf32, #tpu.memory_space<hbm>>) target(%arg6 : memref<128x32xf32, #tpu.memory_space<vmem>>) offsets(%arg5 : memref<128xi32, #tpu.memory_space<vmem>>) semaphore(%arg7 : memref<!tpu.dma_semaphore, #tpu.memory_space<semaphore_mem>>)
    %dma_wait3A = arith.constant 0 : i32
    %dma_wait3A_5 = arith.constant 0 : i32
    %dma_wait3A_6 = tpu.memref_slice %arg3[%dma_wait3A, %dma_wait3A_5] : memref<100001x32xf32, #tpu.memory_space<hbm>> -> memref<100001x32xf32, #tpu.memory_space<hbm>>
    tpu.wait_indirect_dma semaphore(%arg7 : memref<!tpu.dma_semaphore, #tpu.memory_space<semaphore_mem>>) src(%dma_wait3A_6 : memref<100001x32xf32, #tpu.memory_space<hbm>>) dst(%arg6 : memref<128x32xf32, #tpu.memory_space<vmem>>)
    "tpu.region"() ({
      %run_scoped3A = tpu.sem_alloc : memref<!tpu.dma_semaphore, #tpu.memory_space<semaphore_mem>>
      %dma_start3A_7 = arith.constant 0 : i32
      %dma_start3A_8 = tpu.memref_slice %arg4[%mul3A_2, %dma_start3A_7] : memref<4096x128xf32, #tpu.memory_space<hbm>> -> memref<128x32xf32, #tpu.memory_space<hbm>>
      %dma_start3A_9 = arith.constant 0 : i32
      %dma_start3A_10 = tpu.memref_slice %arg4[%mul3A_2, %dma_start3A_9] : memref<4096x128xf32, #tpu.memory_space<hbm>> -> memref<128x32xf32, #tpu.memory_space<hbm>>
      tpu.enqueue_dma source(%arg6 : memref<128x32xf32, #tpu.memory_space<vmem>>) target(%dma_start3A_10 : memref<128x32xf32, #tpu.memory_space<hbm>>) target_semaphore(%run_scoped3A : memref<!tpu.dma_semaphore, #tpu.memory_space<semaphore_mem>>)
      %dma_wait3A_11 = arith.constant 0 : i32
      %dma_wait3A_12 = tpu.memref_slice %arg4[%mul3A_2, %dma_wait3A_11] : memref<4096x128xf32, #tpu.memory_space<hbm>> -> memref<128x32xf32, #tpu.memory_space<hbm>>
      %dma_wait3A_13 = arith.constant 0 : i32
      %dma_wait3A_14 = tpu.memref_slice %arg4[%mul3A_2, %dma_wait3A_13] : memref<4096x128xf32, #tpu.memory_space<hbm>> -> memref<128x32xf32, #tpu.memory_space<hbm>>
      tpu.wait_dma2 semaphore(%run_scoped3A : memref<!tpu.dma_semaphore, #tpu.memory_space<semaphore_mem>>) src(%arg6 : memref<128x32xf32, #tpu.memory_space<vmem>>) dst(%dma_wait3A_14 : memref<128x32xf32, #tpu.memory_space<hbm>>)
      tpu.yield
    }) : () -> ()
    return
  }
}

module attributes {stable_mosaic.version = 14 : i64} {
  func.func @mlp_body(%arg0: i32, %arg1: memref<1024x128xf32, #tpu.memory_space<vmem>>, %arg2: memref<1024x128xf32, #tpu.memory_space<vmem>>, %arg3: memref<1024x20xi32, #tpu.memory_space<vmem>>, %arg4: memref<1x32xf32, #tpu.memory_space<vmem>>, %arg5: memref<64x256xf32, #tpu.memory_space<vmem>>, %arg6: memref<1x256xf32, #tpu.memory_space<vmem>>, %arg7: memref<64x256xf32, #tpu.memory_space<vmem>>, %arg8: memref<64x1xf32, #tpu.memory_space<vmem>>, %arg9: memref<64x1024xf32, #tpu.memory_space<vmem>>) attributes {dimension_semantics = [#tpu.dimension_semantics<parallel>], iteration_bounds = array<i64: 4>, scalar_prefetch = 0 : i64, scratch_operands = 0 : i64, tpu.core_type = #tpu.core_type<tc>, window_params = [{transform_indices = @transform_0, window_bounds = array<i64: 1024, 128>}, {transform_indices = @transform_1, window_bounds = array<i64: 1024, 128>}, {transform_indices = @transform_2, window_bounds = array<i64: 1024, 20>}, {pipeline_mode = #tpu.pipeline_mode<synchronous>, transform_indices = @transform_3, window_bounds = array<i64: 1, 32>}, {pipeline_mode = #tpu.pipeline_mode<synchronous>, transform_indices = @transform_4, window_bounds = array<i64: 64, 256>}, {pipeline_mode = #tpu.pipeline_mode<synchronous>, transform_indices = @transform_5, window_bounds = array<i64: 1, 256>}, {pipeline_mode = #tpu.pipeline_mode<synchronous>, transform_indices = @transform_6, window_bounds = array<i64: 64, 256>}, {pipeline_mode = #tpu.pipeline_mode<synchronous>, transform_indices = @transform_7, window_bounds = array<i64: 64, 1>}, {transform_indices = @transform_8, window_bounds = array<i64: 64, 1024>}]} {
    %get3A = arith.constant 0 : index
    %get3A_0 = arith.constant 0 : index
    %get3A_1 = vector.load %arg3[%get3A, %get3A_0] : memref<1024x20xi32, #tpu.memory_space<vmem>>, vector<1024x20xi32>
    %eq3A = arith.constant 0 : i32
    %eq3A_2 = vector.broadcast %eq3A : i32 to vector<1024x20xi32>
    %eq3A_3 = arith.cmpi eq, %get3A_1, %eq3A_2 : vector<1024x20xi32>
    %convert_element_type3A = arith.extui %eq3A_3 : vector<1024x20xi1> to vector<1024x20xi32>
    %convert_element_type3A_4 = arith.sitofp %convert_element_type3A : vector<1024x20xi32> to vector<1024x20xf32>
    %reduce_sum3A = arith.constant dense<0.000000e+00> : vector<1024xf32>
    %reduce_sum3A_5 = vector.multi_reduction <add>, %convert_element_type3A_4, %reduce_sum3A [1] : vector<1024x20xf32> to vector<1024xf32>
    %broadcast_in_dim3A = vector.shape_cast %reduce_sum3A_5 : vector<1024xf32> to vector<1024x1xf32>
    %sub3A = arith.constant 2.000000e+01 : f32
    %sub3A_6 = vector.broadcast %sub3A : f32 to vector<1024x1xf32>
    %sub3A_7 = arith.subf %sub3A_6, %broadcast_in_dim3A : vector<1024x1xf32>
    %max3A = arith.constant 1.000000e+00 : f32
    %max3A_8 = vector.broadcast %max3A : f32 to vector<1024x1xf32>
    %max3A_9 = arith.maximumf %sub3A_7, %max3A_8 : vector<1024x1xf32>
    %get3A_10 = arith.constant 0 : index
    %get3A_11 = arith.constant 0 : index
    %get3A_12 = vector.load %arg2[%get3A_10, %get3A_11] : memref<1024x128xf32, #tpu.memory_space<vmem>>, vector<1024x32xf32>
    %get3A_13 = arith.constant 0 : index
    %get3A_14 = arith.constant 0 : index
    %get3A_15 = vector.load %arg4[%get3A_13, %get3A_14] : memref<1x32xf32, #tpu.memory_space<vmem>>, vector<1x32xf32>
    %mul3A = vector.broadcast %broadcast_in_dim3A : vector<1024x1xf32> to vector<1024x32xf32>
    %mul3A_16 = vector.broadcast %get3A_15 : vector<1x32xf32> to vector<1024x32xf32>
    %mul3A_17 = arith.mulf %mul3A, %mul3A_16 : vector<1024x32xf32>
    %sub3A_18 = arith.subf %get3A_12, %mul3A_17 : vector<1024x32xf32>
    %div3A = vector.broadcast %max3A_9 : vector<1024x1xf32> to vector<1024x32xf32>
    %div3A_19 = arith.divf %sub3A_18, %div3A : vector<1024x32xf32>
    %get3A_20 = arith.constant 0 : index
    %get3A_21 = arith.constant 0 : index
    %get3A_22 = vector.load %arg1[%get3A_20, %get3A_21] : memref<1024x128xf32, #tpu.memory_space<vmem>>, vector<1024x32xf32>
    %get3A_23 = arith.constant 0 : index
    %get3A_24 = arith.constant 0 : index
    %get3A_25 = vector.load %arg5[%get3A_23, %get3A_24] : memref<64x256xf32, #tpu.memory_space<vmem>>, vector<32x256xf32>
    %dot_general3A = arith.constant dense<0.000000e+00> : vector<1024x256xf32>
    %dot_general3A_26 = tpu.matmul %get3A_22, %get3A_25, %dot_general3A {dimension_numbers = #tpu.dot_dimension_numbers<[1], [0], [0], [1], [0, 0, 1, 1], [], []>, transpose_lhs_hint = false} : vector<1024x32xf32>, vector<32x256xf32>, vector<1024x256xf32> -> vector<1024x256xf32>
    %get3A_27 = arith.constant 32 : index
    %get3A_28 = arith.constant 0 : index
    %get3A_29 = vector.load %arg5[%get3A_27, %get3A_28] : memref<64x256xf32, #tpu.memory_space<vmem>>, vector<32x256xf32>
    %dot_general3A_30 = arith.constant dense<0.000000e+00> : vector<1024x256xf32>
    %dot_general3A_31 = tpu.matmul %div3A_19, %get3A_29, %dot_general3A_30 {dimension_numbers = #tpu.dot_dimension_numbers<[1], [0], [0], [1], [0, 0, 1, 1], [], []>, transpose_lhs_hint = false} : vector<1024x32xf32>, vector<32x256xf32>, vector<1024x256xf32> -> vector<1024x256xf32>
    %add3A = arith.addf %dot_general3A_26, %dot_general3A_31 : vector<1024x256xf32>
    %get3A_32 = arith.constant 0 : index
    %get3A_33 = arith.constant 0 : index
    %get3A_34 = vector.load %arg6[%get3A_32, %get3A_33] : memref<1x256xf32, #tpu.memory_space<vmem>>, vector<1x256xf32>
    %add3A_35 = vector.broadcast %get3A_34 : vector<1x256xf32> to vector<1024x256xf32>
    %add3A_36 = arith.addf %add3A, %add3A_35 : vector<1024x256xf32>
    %max3A_37 = arith.constant 0.000000e+00 : f32
    %max3A_38 = vector.broadcast %max3A_37 : f32 to vector<1024x256xf32>
    %max3A_39 = arith.maximumf %add3A_36, %max3A_38 : vector<1024x256xf32>
    %get3A_40 = arith.constant 0 : index
    %get3A_41 = arith.constant 0 : index
    %get3A_42 = vector.load %arg7[%get3A_40, %get3A_41] : memref<64x256xf32, #tpu.memory_space<vmem>>, vector<64x256xf32>
    %dot_general3A_43 = arith.constant dense<0.000000e+00> : vector<64x1024xf32>
    %dot_general3A_44 = tpu.matmul %get3A_42, %max3A_39, %dot_general3A_43 {dimension_numbers = #tpu.dot_dimension_numbers<[1], [1], [0], [0], [0, 0, 1, 0], [], []>, transpose_lhs_hint = false} : vector<64x256xf32>, vector<1024x256xf32>, vector<64x1024xf32> -> vector<64x1024xf32>
    %get3A_45 = arith.constant 0 : index
    %get3A_46 = arith.constant 0 : index
    %get3A_47 = vector.load %arg8[%get3A_45, %get3A_46] : memref<64x1xf32, #tpu.memory_space<vmem>>, vector<64x1xf32>
    %add3A_48 = vector.broadcast %get3A_47 : vector<64x1xf32> to vector<64x1024xf32>
    %add3A_49 = arith.addf %dot_general3A_44, %add3A_48 : vector<64x1024xf32>
    %swap3A = arith.constant 0 : index
    %swap3A_50 = arith.constant 0 : index
    %swap3A_51 = vector.load %arg9[%swap3A, %swap3A_50] : memref<64x1024xf32, #tpu.memory_space<vmem>>, vector<64x1024xf32>
    tpu.vector_store %arg9[%swap3A, %swap3A_50], %add3A_49 {strides = array<i32>} : memref<64x1024xf32, #tpu.memory_space<vmem>>, vector<64x1024xf32>,
    return
  }
  func.func @transform_0(%arg0: i32) -> (i32, i32) {
    %c0_i32 = arith.constant 0 : i32
    %c0_i32_0 = arith.constant 0 : i32
    return %arg0, %c0_i32 : i32, i32
  }
  func.func @transform_1(%arg0: i32) -> (i32, i32) {
    %c0_i32 = arith.constant 0 : i32
    %c0_i32_0 = arith.constant 0 : i32
    return %arg0, %c0_i32 : i32, i32
  }
  func.func @transform_2(%arg0: i32) -> (i32, i32) {
    %c0_i32 = arith.constant 0 : i32
    %c0_i32_0 = arith.constant 0 : i32
    return %arg0, %c0_i32 : i32, i32
  }
  func.func @transform_3(%arg0: i32) -> (i32, i32) {
    %c0_i32 = arith.constant 0 : i32
    %c0_i32_0 = arith.constant 0 : i32
    %c0_i32_1 = arith.constant 0 : i32
    return %c0_i32, %c0_i32_0 : i32, i32
  }
  func.func @transform_4(%arg0: i32) -> (i32, i32) {
    %c0_i32 = arith.constant 0 : i32
    %c0_i32_0 = arith.constant 0 : i32
    %c0_i32_1 = arith.constant 0 : i32
    return %c0_i32, %c0_i32_0 : i32, i32
  }
  func.func @transform_5(%arg0: i32) -> (i32, i32) {
    %c0_i32 = arith.constant 0 : i32
    %c0_i32_0 = arith.constant 0 : i32
    %c0_i32_1 = arith.constant 0 : i32
    return %c0_i32, %c0_i32_0 : i32, i32
  }
  func.func @transform_6(%arg0: i32) -> (i32, i32) {
    %c0_i32 = arith.constant 0 : i32
    %c0_i32_0 = arith.constant 0 : i32
    %c0_i32_1 = arith.constant 0 : i32
    return %c0_i32, %c0_i32_0 : i32, i32
  }
  func.func @transform_7(%arg0: i32) -> (i32, i32) {
    %c0_i32 = arith.constant 0 : i32
    %c0_i32_0 = arith.constant 0 : i32
    %c0_i32_1 = arith.constant 0 : i32
    return %c0_i32, %c0_i32_0 : i32, i32
  }
  func.func @transform_8(%arg0: i32) -> (i32, i32) {
    %c0_i32 = arith.constant 0 : i32
    %c0_i32_0 = arith.constant 0 : i32
    return %c0_i32, %arg0 : i32, i32
  }
}

</mosaic_0001>

<sc_bundles>
// kernel: kernel.5.cloned.1.call-start
scs
__scs_entry_jumppad:
0x0: {  	(pc) =	sbr.rel $0x88, $3  }
0x1: {  	(tag) =	ssettag $0x0;
	lr =	simm.s32 $0x1  }
0x2: {  	[smem:$0x3F99] =	sst lr;
	_ =	strace $0xD0000000  }
0x3: {  	_ = 	snop  }
0x4: {  	_ = 	snop  }
0x5: {  	_ = 	snop  }
0x6: {  	_ = 	snop  }
0x7: {  	_ = 	snop  }
__scs_overlays_trampoline_lowered:
0x8: {  	[smem:$0x3FA8] =	sst s0  }
0x9: {  	[smem:$0x3FA9] =	sst s1  }
0xa: {  	[smem:$0x3FAA] =	sst s2  }
0xb: {  	[smem:$0x3FAB] =	sst s3  }
0xc: {  	[smem:$0x3FAC] =	sst s4  }
0xd: {  	[smem:$0x3FAD] =	sst s5  }
0xe: {  	[smem:$0x3FAE] =	sst s6  }
0xf: {  	[smem:$0x3FAF] =	sst s7  }
0x10: {  	[smem:$0x3FB0] =	sst s8  }
0x11: {  	[smem:$0x3FB1] =	sst s9;
	s0 =	simm.s32 @!p0 $0x0  }
0x12: {  	s1 =	sld [smem:$0x3F97];
	s0 =	simm.s32 @p0 $0x1  }
0x13: {  	[smem:$0x3FB2] =	sst s0;
	s0 =	simm.s32 @!p1 $0x0  }
0x14: {  	s2 =	sld [smem:$0x3F96];
	s0 =	simm.s32 @p1 $0x1  }
0x15: {  	[smem:$0x3FB3] =	sst s0;
	s0 =	simm.s32 @!p2 $0x0  }
0x16: {  	s3 =	sld [smem:$0x3FDB];
	s0 =	simm.s32 @p2 $0x1  }
0x17: {  	s4 =	simm.s32 $0x1BF5;
	[smem:$0x3FB5] =	sst s0  }
0x18: {  	s0 =	sld [smem:$0x3F98];
	_ =	swait.ge [sflag:s4], $0x0  }
0x19: {  	s7 =	sld [smem:$0x3F99]  }
0x1a: {  	s8 =	sadd.s32 $0xFFFFE003, lr  }
0x1b: {  	s9 =	sadd.s32 $0xFFFFFEF7, lr;
	s5 =	simm.s32 $0xFFFFFFFF;
	p2 =	slt.u32 s8, $0xFFFFF086  }
0x1c: {  	p1 =	slt.u32 s9, $0xF7A;
	s5 =	simm.s32 @!p2 $0x0  }
0x1d: {  	s5 =	simm.s32 @p1 $0x1;
	p0 =	seq.s32 s7, s2  }
0x1e: {  	s7 =	smul.u32 @!p0 $0xF7A, s2;
	p2 =	seq.s32 @!p0 s5, $0x0  }
0x1f: {  	s9 =	smul.u32 $0xF7A, s1;
	s8 =	simm.s32 @!p0 $0x1BF5;
	p2 =	por !p2, p0  }
0x20: {  	[sflag:s8] =	ssyncset.s32 @!p0 $0xFFFFF086;
	s6 =	sadd.s32 @!p0 s3, s7;
	s7 =	simm.s32 @!p0 $0x108  }
0x21: {  	s3 =	sadd.s32 s3, s9;
	s6 =	sadd.s32 @!p0 $0x88, s6;
	s7 =	simm.s32 @p2 $0x1082  }
0x22: {  	[simem:s7], [sflag:s8] =	dma.local @!p0 [hbm:s6], $0xF7A  }
0x23: {  	s9 =	sor.u32 $0xD0000000, s2;
	s6 =	simm.s32 $0x108;
	_ =	swait.ge @!p0 [sflag:s8], $0x0  }
0x24: {  	s3 =	sadd.s32 $0x88, s3;
	s6 =	simm.s32 @!p1 $0x1082;
	[sflag:s4] =	ssyncset.s32 $0xFFFFF086  }
0x25: {  	[simem:s6], [sflag:s4] =	dma.local [hbm:s3], $0xF7A  }
0x26: {  	[smem:$0x3F99] =	sst s1;
	(tag) =	ssettag s2;
	_ =	strace s9  }
0x27: {  	s1 =	sld [smem:$0x3FA9]  }
0x28: {  	s2 =	sld [smem:$0x3FAA]  }
0x29: {  	s4 =	sld [smem:$0x3FAC]  }
0x2a: {  	p0 =	seq.s32 s5, $0x0;
	s5 =	sld [smem:$0x3FAD]  }
0x2b: {  	s6 =	sld [smem:$0x3FAE]  }
0x2c: {  	s7 =	sld [smem:$0x3FAF]  }
0x2d: {  	s3 =	simm.s32 $0x108;
	s8 =	sld [smem:$0x3FB0]  }
0x2e: {  	s3 =	simm.s32 @!p0 $0x1082;
	s9 =	sld [smem:$0x3FB1]  }
0x2f: {  	lr =	sadd.s32 s0, s3;
	s0 =	sld [smem:$0x3FA8]  }
0x30: {  	s3 =	sld [smem:$0x3FAB]  }
0x31: {  	[smem:$0x3FB4] =	sst s10  }
0x32: {  	s10 =	sld [smem:$0x3FB2];
	_ =	sdelay $0x3  }
0x33: {  	p0 =	seq.s32 s10, $0x1;
	s10 =	sld [smem:$0x3FB4];
	_ =	sdelay $0x3  }
0x34: {  	[smem:$0x3FB4] =	sst s10  }
0x35: {  	s10 =	sld [smem:$0x3FB3];
	_ =	sdelay $0x3  }
0x36: {  	p1 =	seq.s32 s10, $0x1;
	s10 =	sld [smem:$0x3FB4];
	_ =	sdelay $0x3  }
0x37: {  	[smem:$0x3FB4] =	sst s10  }
0x38: {  	s10 =	sld [smem:$0x3FB5]  }
0x39: {  	_ = 	snop;
	(pc) =	sbr.ind lr, $3  }
0x3a: {  	_ = 	snop  }
0x3b: {  	_ = 	snop  }
0x3c: {  	p2 =	seq.s32 s10, $0x1;
	s10 =	sld [smem:$0x3FB4]  }
0x3d: {  	_ =	shalt  }
0x3e: {  	_ =	shalt  }
0x3f: {  	_ =	shalt  }
0x40: {  	_ =	shalt  }
0x41: {  	_ =	shalt  }
0x42: {  	_ =	shalt  }
0x43: {  	_ =	shalt  }
0x44: {  	_ =	shalt  }
0x45: {  	_ =	shalt  }
0x46: {  	_ =	shalt  }
0x47: {  	_ =	shalt  }
0x48: {  	_ =	shalt  }
0x49: {  	_ =	shalt  }
0x4a: {  	_ =	shalt  }
0x4b: {  	_ =	shalt  }
0x4c: {  	_ =	shalt  }
0x4d: {  	_ =	shalt  }
0x4e: {  	_ =	shalt  }
0x4f: {  	_ =	shalt  }
0x50: {  	_ =	shalt  }
0x51: {  	_ =	shalt  }
0x52: {  	_ =	shalt  }
0x53: {  	_ =	shalt  }
0x54: {  	_ =	shalt  }
0x55: {  	_ =	shalt  }
0x56: {  	_ =	shalt  }
0x57: {  	_ =	shalt  }
0x58: {  	_ =	shalt  }
0x59: {  	_ =	shalt  }
0x5a: {  	_ =	shalt  }
0x5b: {  	_ =	shalt  }
0x5c: {  	_ =	shalt  }
0x5d: {  	_ =	shalt  }
0x5e: {  	_ =	shalt  }
0x5f: {  	_ =	shalt  }
0x60: {  	_ =	shalt  }
0x61: {  	_ =	shalt  }
0x62: {  	_ =	shalt  }
0x63: {  	_ =	shalt  }
0x64: {  	_ =	shalt  }
0x65: {  	_ =	shalt  }
0x66: {  	_ =	shalt  }
0x67: {  	_ =	shalt  }
0x68: {  	_ =	shalt  }
0x69: {  	_ =	shalt  }
0x6a: {  	_ =	shalt  }
0x6b: {  	_ =	shalt  }
0x6c: {  	_ =	shalt  }
0x6d: {  	_ =	shalt  }
0x6e: {  	_ =	shalt  }
0x6f: {  	_ =	shalt  }
0x70: {  	_ =	shalt  }
0x71: {  	_ =	shalt  }
0x72: {  	_ =	shalt  }
0x73: {  	_ =	shalt  }
0x74: {  	_ =	shalt  }
0x75: {  	_ =	shalt  }
0x76: {  	_ =	shalt  }
0x77: {  	_ =	shalt  }
0x78: {  	_ =	shalt  }
0x79: {  	_ =	shalt  }
0x7a: {  	_ =	shalt  }
0x7b: {  	_ =	shalt  }
0x7c: {  	_ =	shalt  }
0x7d: {  	_ =	shalt  }
0x7e: {  	_ =	shalt  }
0x7f: {  	_ =	shalt  }
0x80: {  	_ =	shalt  }
0x81: {  	_ =	shalt  }
0x82: {  	_ =	shalt  }
0x83: {  	_ =	shalt  }
0x84: {  	_ =	shalt  }
0x85: {  	_ =	shalt  }
0x86: {  	_ =	shalt  }
0x87: {  	_ =	shalt  }
.Lfunc_end0:
.L_simem_size_0:
called_computation_lowered:
.L_overlay_start_0:
0x88: {  	s2 =	sld [smem:$0x3FD9]  }
0x89: {  	s3 =	sld [smem:$0x3FFE];
	_ =	sdelay $0x1  }
0x8a: {  	s1 =	srdreg.scid  }
0x8b: {  	s0 =	sand.u32 $0x1, s1  }
0x8c: {  	s17 =	sshll.u32 s0, $0xA;
	s2 =	sadd.s32 s3, s2  }
0x8d: {  	s2 =	sadd.s32 s2, s17  }
0x8e: {  	[smem:$0x3FC0] =	sst s2  }
0x8f: {  	_ = 	snop  }
0x90: {  	s18 =	sld [smem:$0x3FD0];
	(tm) =	ssettm $0x1  }
0x91: {  	s19 =	sld [smem:$0x3FFB];
	_ =	sdelay $0x3  }
0x92: {  	_ =	strace s19  }
0x93: {  	s2 =	sld [smem:$0x3FFC];
	_ =	sdelay $0x3  }
0x94: {  	_ =	strace s2  }
0x95: {  	s2 =	sld [smem:$0x3FFD];
	_ =	sdelay $0x3  }
0x96: {  	_ =	strace s2  }
0x97: {  	_ =	strace $0x8FFFFFFF  }
0x98: {  	s20 =	sld [smem:$0x3FDB];
	_ =	sdelay $0x1  }
0x99: {  	s4 =	simm.s32 $_scs_section_size  }
0x9a: {  	s5 =	simm.s32 $_size__tile_overlayer_lowered;
	s6 =	simm.s32 $_tile_overlayer_lowered  }
0x9b: {  	s7 =	simm.s32 $0x1BFF;
	s21 =	sshll.u32 s6, $0x1;
	s4 =	sadd.s32 s4, s20  }
0x9c: {  	s22 =	simm.s32 $0x0;
	s5 =	sshll.u32 s5, $0x1;
	s6 =	sadd.s32 s21, s4  }
0x9d: {  	[timem:s22], [sflag:s7] =	dma.local [hbm:s6], s5  }
0x9e: {  	_ =	swait.ge [sflag:s7], s5  }
0x9f: {  	s5 =	ssub.s32 $0x0, s5;
	[sflag:s7] =	ssyncset.done $0x0  }
0xa0: {  	[sflag:s7] =	ssyncadd.s32 s5;
	_ =	sdelay $0x1  }
0xa1: {  	s23 =	simm.s32 $0x1B8B  }
0xa2: {  	_ =	swait.ge [sflag:s23], $0x1  }
0xa3: {  	[sflag:s23] =	ssyncset.done $0x0  }
0xa4: {  	[sflag:s23] =	ssyncadd.s32 $0xFFFFFFFF  }
0xa5: {  	s5 =	sld [smem:$0x0]  }
0xa6: {  	s6 =	sand.u32 $0xFFFFFFFE, s1  }
0xa7: {  	p0 =	sne.s32 s1, s6  }
0xa8: {  	s6 =	sshll.u32 @p0 s6, $0xE  }
0xa9: {  	s6 =	sadd.s32 @p0 $0x11B8D, s6;
	s7 =	sshll.u32 @p0 s5, $0x11  }
0xaa: {  	s6 =	sor.u32 @p0 s7, s6  }
0xab: {  	[sflag:s6] =	ssyncadd.remote.s32 @p0 $0x1;
	_ =	sdelay $0x1  }
0xac: {  	s6 =	simm.s32 @p0 $0x1B8D  }
0xad: {  	_ =	swait.eq @p0 [sflag:s6], $0x1  }
0xae: {  	[sflag:s6] =	ssyncadd.s32 @p0 $0xFFFFFFFF  }
0xaf: {  	s7 =	sshll.u32 @!p0 s1, $0xE  }
0xb0: {  	s7 =	sor.u32 @!p0 $0x4000, s7;
	s6 =	simm.s32 @!p0 $0x1B8D  }
0xb1: {  	s5 =	sshll.u32 @!p0 s5, $0x11;
	s7 =	sadd.s32 @!p0 $0x11B8D, s7;
	_ =	swait.eq @!p0 [sflag:s6], $0x1  }
0xb2: {  	s5 =	sor.u32 @!p0 s5, s7;
	[sflag:s6] =	ssyncadd.s32 @!p0 $0xFFFFFFFF  }
0xb3: {  	s25 =	simm.s32 $0x1B8E;
	s24 =	sld [smem:$0x3FFE];
	[sflag:s5] =	ssyncadd.remote.s32 @!p0 $0x1  }
0xb4: {  	s26 =	simm.s32 $execute0_lowered;
	[smem:$0x3FD2] =	sst s25  }
0xb5: {  	s6 =	sshll.u32 s26, $0x1;
	_ =	strace $0x80000049;
	[dreg:$0x1] =	wrdreg $0xFFFFFFFF  }
0xb6: {  	s28 =	simm.s32 $_size_execute0_lowered;
	s4 =	sadd.s32 s4, s6;
	[dreg:$0x0] =	wrdreg $0x0  }
0xb7: {  	s6 =	sshll.u32 s28, $0x1;
	[dreg:$0x2] =	wrdreg s4  }
0xb8: {  	[dreg:$0x3] =	wrdreg s6  }
0xb9: {  	[dreg:$0x4] =	wrdreg $0xC0  }
0xba: {  	_ =	task [dreg:s22], $0x5FFFF  }
0xbb: {  	[dreg:$0x1] =	wrdreg $0xFFFFFFFF  }
0xbc: {  	[dreg:$0x0] =	wrdreg $0x60  }
0xbd: {  	[dreg:$0x2] =	wrdreg s18  }
0xbe: {  	[dreg:$0x3] =	wrdreg s24  }
0xbf: {  	[dreg:$0x4] =	wrdreg $0x9  }
0xc0: {  	_ =	task.clear_ibuf [dreg:s22], $0x5FFFF;
	_ =	strace $0x90000049  }
0xc1: {  	s29 =	simm.s32 $0x9;
	_ =	strace $0x8000004B  }
0xc2: {  	_ =	swait.ge [sflag:s29], $0x1  }
0xc3: {  	[sflag:s29] =	ssyncadd.s32 $0xFFFFFFFF  }
0xc4: {  	_ =	strace $0x9000004B  }
0xc5: {  	_ =	sfence  }
0xc6: {  	s30 =	sld [smem:$0x0];
	_ =	sdelay $0x2  }
0xc7: {  	s31 =	sshll.u32 s1, $0xD;
	s1 =	sshrl.u32 s1, $0x2  }
0xc8: {  	s4 =	sand.u32 $0x4000, s31;
	s1 =	sadd.s32 s1, s30  }
0xc9: {  	s0 =	sor.u32 s4, s0;
	s1 =	sshll.u32 s1, $0x11  }
0xca: {  	s0 =	sor.u32 s1, s0  }
0xcb: {  	s0 =	sadd.s32 $0x8F2B, s0  }
0xcc: {  	[sflag:s0] =	ssyncadd.remote.s32 $0x1  }
0xcd: {  	_ =	sfence.sel $0xFFFF  }
0xce: {  	[dreg:$0x0] =	wrdreg $0xFFFFFFFF;
	(pc) =	sbr.abs _section_cstart, $3  }
0xcf: {  	[dreg:$0x1] =	wrdreg $0xFFFFFFFF  }
0xd0: {  	_ =	task.clear_ibuf [dreg:s22], $0x2FFFF;
	_ =	strace $0x9FFFFFFF  }
0xd1: {  	(tm) =	ssettm $0x7FFFFFFF  }
tec
execute0_lowered:
.L_overlay_start_1:
0x0: {  	(tag) =	ssettag $0x1  }
0x1: {  	s0 =	rddreg [dreg:$0x0]  }
0x2: {  	s1 =	rddreg [dreg:$0x1];
	s2 =	simm.s32 $0x0  }
0x3: {  	s3 =	srdreg.scid;
	s4 =	stileid.u32;
	s7 =	simm.s32 $0x2  }
0x4: {  	s8 =	simm.s32 $0x80;
	s9 =	simm.s32 $0x680;
	s10 =	simm.s32 $0xDA00  }
0x5: {  	s11 =	simm.s32 $0x700;
	s12 =	simm.s32 $0xEA00;
	s13 =	simm.s32 $0x780  }
0x6: {  	s14 =	simm.s32 $0xFA00;
	s15 =	simm.s32 $0x800;
	s16 =	simm.s32 $0x10A00  }
0x7: {  	s17 =	simm.s32 $0x880;
	s18 =	simm.s32 $0x11A00;
	s19 =	simm.s32 $0x900  }
0x8: {  	s20 =	simm.s32 $0x12A00;
	s21 =	simm.s32 $0x980;
	s22 =	simm.s32 $0x13A00  }
0x9: {  	s23 =	simm.s32 $0x1;
	s24 =	simm.s32 $0x20;
	s25 =	simm.s32 $0x14A00  }
0xa: {  	[smem:$0x7FF] =	sst s2;
	s3 =	sand.u32 $0x1, s3;
	s4 =	sshll.u32 s4, $0x1  }
0xb: {  	s26 =	simm.s32 $0x0;
	_ =	strace $0x8000004A;
	s4 =	sor.u32 s3, s4  }
0xc: {  	s6 =	ssub.s32 $0x2, s3;
	s5 =	sshll.u32 s4, $0xB;
	s4 =	smul.u32 $0x140, s4  }
0xd: {  	s3 =	sadd.s32 $0x11800, s1;
	s31 =	sshrl.u32 s6, $0x1;
	s1 =	sadd.s32 s5, s1  }
0xe: {  	s6 =	ssub.s32 s6, s31;
	s4 =	sadd.s32 s0, s4;
	s5 =	sadd.s32 $0x1B600, s1  }
0xf: {  	s6 =	smax.u32 s6, $0x1;
	s0 =	simm.s32 $0x600;
	s1 =	simm.s32 $0xCA00  }
.LBB2_1:
0x10: {  	[tilespmem:s2], [sflag:$0x2] =	stream.linear.gather [hbm4b:s4+s2], $0xA00, $0x38;
	[tilespmem:$0x15A00] =	vst v63  }
0x11: {  	_ =	swait.ge [sflag:s7], $0xA00  }
0x12: {  	[sflag:s7] =	ssyncset.done $0x0  }
0x13: {  	s28 =	simm.s32 $0xA00;
	[sflag:s7] =	ssyncadd.s32 $0xFFFFF600  }
0x14: {  	[tilespmem:s28], [sflag:$0x1] =	stream.indirect.gather [hbm4b:s3+s8], $0x20, s2, s8, $0xb8;
	[tilespmem:$0x15A00] =	vst v63  }
0x15: {  	s28 =	simm.s32 $0x1A00  }
0x16: {  	[tilespmem:s28], [sflag:$0x1] =	stream.indirect.gather [hbm4b:s3+s8], $0x20, s8, s8, $0xb8;
	[tilespmem:$0x15A00] =	vst v63  }
0x17: {  	s29 =	simm.s32 $0x2A00;
	s28 =	simm.s32 $0x100  }
0x18: {  	[tilespmem:s29], [sflag:$0x1] =	stream.indirect.gather [hbm4b:s3+s8], $0x20, s28, s8, $0xb8;
	[tilespmem:$0x15A00] =	vst v63  }
0x19: {  	s28 =	simm.s32 $0x180;
	s29 =	simm.s32 $0x3A00  }
0x1a: {  	[tilespmem:s29], [sflag:$0x1] =	stream.indirect.gather [hbm4b:s3+s8], $0x20, s28, s8, $0xb8;
	[tilespmem:$0x15A00] =	vst v63  }
0x1b: {  	s28 =	simm.s32 $0x200;
	s29 =	simm.s32 $0x4A00  }
0x1c: {  	[tilespmem:s29], [sflag:$0x1] =	stream.indirect.gather [hbm4b:s3+s8], $0x20, s28, s8, $0xb8;
	[tilespmem:$0x15A00] =	vst v63  }
0x1d: {  	s28 =	simm.s32 $0x280;
	s29 =	simm.s32 $0x5A00  }
0x1e: {  	[tilespmem:s29], [sflag:$0x1] =	stream.indirect.gather [hbm4b:s3+s8], $0x20, s28, s8, $0xb8;
	[tilespmem:$0x15A00] =	vst v63  }
0x1f: {  	s28 =	simm.s32 $0x300;
	s29 =	simm.s32 $0x6A00  }
0x20: {  	[tilespmem:s29], [sflag:$0x1] =	stream.indirect.gather [hbm4b:s3+s8], $0x20, s28, s8, $0xb8;
	[tilespmem:$0x15A00] =	vst v63  }
0x21: {  	s28 =	simm.s32 $0x380;
	s29 =	simm.s32 $0x7A00  }
0x22: {  	[tilespmem:s29], [sflag:$0x1] =	stream.indirect.gather [hbm4b:s3+s8], $0x20, s28, s8, $0xb8;
	[tilespmem:$0x15A00] =	vst v63  }
0x23: {  	s28 =	simm.s32 $0x400;
	s29 =	simm.s32 $0x8A00  }
0x24: {  	[tilespmem:s29], [sflag:$0x1] =	stream.indirect.gather [hbm4b:s3+s8], $0x20, s28, s8, $0xb8;
	[tilespmem:$0x15A00] =	vst v63  }
0x25: {  	s28 =	simm.s32 $0x480;
	s29 =	simm.s32 $0x9A00  }
0x26: {  	[tilespmem:s29], [sflag:$0x1] =	stream.indirect.gather [hbm4b:s3+s8], $0x20, s28, s8, $0xb8;
	[tilespmem:$0x15A00] =	vst v63  }
0x27: {  	s28 =	simm.s32 $0x500;
	s29 =	simm.s32 $0xAA00  }
0x28: {  	[tilespmem:s29], [sflag:$0x1] =	stream.indirect.gather [hbm4b:s3+s8], $0x20, s28, s8, $0xb8;
	[tilespmem:$0x15A00] =	vst v63  }
0x29: {  	s28 =	simm.s32 $0x580;
	s29 =	simm.s32 $0xBA00  }
0x2a: {  	[tilespmem:s29], [sflag:$0x1] =	stream.indirect.gather [hbm4b:s3+s8], $0x20, s28, s8, $0xb8;
	[tilespmem:$0x15A00] =	vst v63  }
0x2b: {  	_ = 	snop  }
0x2c: {  	[tilespmem:s1], [sflag:$0x1] =	stream.indirect.gather [hbm4b:s3+s8], $0x20, s0, s8, $0xb8;
	[tilespmem:$0x15A00] =	vst v63  }
0x2d: {  	_ = 	snop  }
0x2e: {  	[tilespmem:s10], [sflag:$0x1] =	stream.indirect.gather [hbm4b:s3+s8], $0x20, s9, s8, $0xb8;
	[tilespmem:$0x15A00] =	vst v63  }
0x2f: {  	_ = 	snop  }
0x30: {  	[tilespmem:s12], [sflag:$0x1] =	stream.indirect.gather [hbm4b:s3+s8], $0x20, s11, s8, $0xb8;
	[tilespmem:$0x15A00] =	vst v63  }
0x31: {  	_ = 	snop  }
0x32: {  	[tilespmem:s14], [sflag:$0x1] =	stream.indirect.gather [hbm4b:s3+s8], $0x20, s13, s8, $0xb8;
	[tilespmem:$0x15A00] =	vst v63  }
0x33: {  	_ = 	snop  }
0x34: {  	[tilespmem:s16], [sflag:$0x1] =	stream.indirect.gather [hbm4b:s3+s8], $0x20, s15, s8, $0xb8;
	[tilespmem:$0x15A00] =	vst v63  }
0x35: {  	_ = 	snop  }
0x36: {  	[tilespmem:s18], [sflag:$0x1] =	stream.indirect.gather [hbm4b:s3+s8], $0x20, s17, s8, $0xb8;
	[tilespmem:$0x15A00] =	vst v63  }
0x37: {  	_ = 	snop  }
0x38: {  	[tilespmem:s20], [sflag:$0x1] =	stream.indirect.gather [hbm4b:s3+s8], $0x20, s19, s8, $0xb8;
	[tilespmem:$0x15A00] =	vst v63  }
0x39: {  	_ = 	snop  }
0x3a: {  	[tilespmem:s22], [sflag:$0x1] =	stream.indirect.gather [hbm4b:s3+s8], $0x20, s21, s8, $0xb8;
	[tilespmem:$0x15A00] =	vst v63  }
0x3b: {  	_ =	swait.ge [sflag:s23], $0x1000  }
0x3c: {  	[sflag:s23] =	ssyncset.done $0x0  }
0x3d: {  	[sflag:s23] =	ssyncadd.s32 $0xFFFFF000  }
0x3e: {  	_ =	swait.ge [sflag:s23], $0x1000  }
0x3f: {  	[sflag:s23] =	ssyncset.done $0x0  }
0x40: {  	[sflag:s23] =	ssyncadd.s32 $0xFFFFF000  }
0x41: {  	_ =	swait.ge [sflag:s23], $0x1000  }
0x42: {  	[sflag:s23] =	ssyncset.done $0x0  }
0x43: {  	[sflag:s23] =	ssyncadd.s32 $0xFFFFF000  }
0x44: {  	_ =	swait.ge [sflag:s23], $0x1000  }
0x45: {  	[sflag:s23] =	ssyncset.done $0x0  }
0x46: {  	[sflag:s23] =	ssyncadd.s32 $0xFFFFF000  }
0x47: {  	_ =	swait.ge [sflag:s23], $0x1000  }
0x48: {  	[sflag:s23] =	ssyncset.done $0x0  }
0x49: {  	[sflag:s23] =	ssyncadd.s32 $0xFFFFF000  }
0x4a: {  	_ =	swait.ge [sflag:s23], $0x1000  }
0x4b: {  	[sflag:s23] =	ssyncset.done $0x0  }
0x4c: {  	[sflag:s23] =	ssyncadd.s32 $0xFFFFF000  }
0x4d: {  	_ =	swait.ge [sflag:s23], $0x1000  }
0x4e: {  	[sflag:s23] =	ssyncset.done $0x0  }
0x4f: {  	[sflag:s23] =	ssyncadd.s32 $0xFFFFF000  }
0x50: {  	_ =	swait.ge [sflag:s23], $0x1000  }
0x51: {  	[sflag:s23] =	ssyncset.done $0x0  }
0x52: {  	[sflag:s23] =	ssyncadd.s32 $0xFFFFF000  }
0x53: {  	_ =	swait.ge [sflag:s23], $0x1000  }
0x54: {  	[sflag:s23] =	ssyncset.done $0x0  }
0x55: {  	[sflag:s23] =	ssyncadd.s32 $0xFFFFF000  }
0x56: {  	_ =	swait.ge [sflag:s23], $0x1000  }
0x57: {  	[sflag:s23] =	ssyncset.done $0x0  }
0x58: {  	[sflag:s23] =	ssyncadd.s32 $0xFFFFF000  }
0x59: {  	_ =	swait.ge [sflag:s23], $0x1000  }
0x5a: {  	[sflag:s23] =	ssyncset.done $0x0  }
0x5b: {  	[sflag:s23] =	ssyncadd.s32 $0xFFFFF000  }
0x5c: {  	_ =	swait.ge [sflag:s23], $0x1000  }
0x5d: {  	[sflag:s23] =	ssyncset.done $0x0  }
0x5e: {  	[sflag:s23] =	ssyncadd.s32 $0xFFFFF000  }
0x5f: {  	_ =	swait.ge [sflag:s23], $0x1000  }
0x60: {  	[sflag:s23] =	ssyncset.done $0x0  }
0x61: {  	[sflag:s23] =	ssyncadd.s32 $0xFFFFF000  }
0x62: {  	_ =	swait.ge [sflag:s23], $0x1000  }
0x63: {  	[sflag:s23] =	ssyncset.done $0x0  }
0x64: {  	[sflag:s23] =	ssyncadd.s32 $0xFFFFF000  }
0x65: {  	_ =	swait.ge [sflag:s23], $0x1000  }
0x66: {  	[sflag:s23] =	ssyncset.done $0x0  }
0x67: {  	[sflag:s23] =	ssyncadd.s32 $0xFFFFF000  }
0x68: {  	_ =	swait.ge [sflag:s23], $0x1000  }
0x69: {  	[sflag:s23] =	ssyncset.done $0x0  }
0x6a: {  	[sflag:s23] =	ssyncadd.s32 $0xFFFFF000  }
0x6b: {  	_ =	swait.ge [sflag:s23], $0x1000  }
0x6c: {  	[sflag:s23] =	ssyncset.done $0x0  }
0x6d: {  	[sflag:s23] =	ssyncadd.s32 $0xFFFFF000  }
0x6e: {  	_ =	swait.ge [sflag:s23], $0x1000  }
0x6f: {  	[sflag:s23] =	ssyncset.done $0x0  }
0x70: {  	[sflag:s23] =	ssyncadd.s32 $0xFFFFF000  }
0x71: {  	_ =	swait.ge [sflag:s23], $0x1000  }
0x72: {  	[sflag:s23] =	ssyncset.done $0x0  }
0x73: {  	[sflag:s23] =	ssyncadd.s32 $0xFFFFF000  }
0x74: {  	_ =	swait.ge [sflag:s23], $0x1000  }
0x75: {  	[sflag:s23] =	ssyncset.done $0x0  }
0x76: {  	s28 =	simm.s32 $0xB40;
	[sflag:s23] =	ssyncadd.s32 $0xFFFFF000  }
0x77: {  	v0 =	vld [tilespmem:s28+$0xFFFFFEC0]  }
0x78: {  	v1 =	vld [tilespmem:s28+$0xFFFFFEE0];
	_ =	sdelay $0x1  }
0x79: {  	v2 =	vld [tilespmem:s28+$0xFFFFFF00];
	_ =	sdelay $0x1  }
0x7a: {  	v3 =	vld [tilespmem:s28+$0xFFFFFF20]  }
0x7b: {  	v0 =	vadd.f32 v1, v0  }
0x7c: {  	v1 =	vld [tilespmem:s28+$0xFFFFFF40]  }
0x7d: {  	v0 =	vadd.f32 v2, v0  }
0x7e: {  	v2 =	vld [tilespmem:s28+$0xFFFFFF60]  }
0x7f: {  	v0 =	vadd.f32 v3, v0  }
0x80: {  	v3 =	vld [tilespmem:s28+$0xFFFFFF80]  }
0x81: {  	v0 =	vadd.f32 v1, v0  }
0x82: {  	v1 =	vld [tilespmem:s28+$0xFFFFFFA0]  }
0x83: {  	v0 =	vadd.f32 v2, v0  }
0x84: {  	v2 =	vld [tilespmem:s28+$0xFFFFFFC0]  }
0x85: {  	v0 =	vadd.f32 v3, v0  }
0x86: {  	v3 =	vld [tilespmem:s28+$0xFFFFFFE0]  }
0x87: {  	v0 =	vadd.f32 v1, v0  }
0x88: {  	v1 =	vld [tilespmem:s28+$0x0]  }
0x89: {  	v0 =	vadd.f32 v2, v0  }
0x8a: {  	v2 =	vld [tilespmem:s28+$0x20]  }
0x8b: {  	v0 =	vadd.f32 v3, v0  }
0x8c: {  	v3 =	vld [tilespmem:s28+$0x40]  }
0x8d: {  	v0 =	vadd.f32 v1, v0  }
0x8e: {  	v1 =	vld [tilespmem:s28+$0x60]  }
0x8f: {  	v0 =	vadd.f32 v2, v0  }
0x90: {  	v2 =	vld [tilespmem:s28+$0x80]  }
0x91: {  	v0 =	vadd.f32 v3, v0  }
0x92: {  	v3 =	vld [tilespmem:s28+$0xA0]  }
0x93: {  	v0 =	vadd.f32 v1, v0  }
0x94: {  	v1 =	vld [tilespmem:s28+$0xC0]  }
0x95: {  	v0 =	vadd.f32 v2, v0  }
0x96: {  	v2 =	vld [tilespmem:s28+$0xE0]  }
0x97: {  	v0 =	vadd.f32 v3, v0  }
0x98: {  	v3 =	vld [tilespmem:s28+$0x100]  }
0x99: {  	v0 =	vadd.f32 v1, v0  }
0x9a: {  	v1 =	vld [tilespmem:s28+$0x120]  }
0x9b: {  	v0 =	vadd.f32 v2, v0;
	_ =	sdelay $0x1  }
0x9c: {  	v0 =	vadd.f32 v3, v0;
	_ =	sdelay $0x1  }
0x9d: {  	v0 =	vadd.f32 v1, v0  }
0x9e: {  	s30 =	simm.s32 $0x0  }
0x9f: {  	[tilespmem:s30+$0x14A00] =	vst v0  }
0xa0: {  	v0 =	vld [tilespmem:s28+$0xFFFFFED0]  }
0xa1: {  	v1 =	vld [tilespmem:s28+$0xFFFFFEF0];
	_ =	sdelay $0x1  }
0xa2: {  	v2 =	vld [tilespmem:s28+$0xFFFFFF10];
	_ =	sdelay $0x1  }
0xa3: {  	v3 =	vld [tilespmem:s28+$0xFFFFFF30]  }
0xa4: {  	v0 =	vadd.f32 v1, v0  }
0xa5: {  	v1 =	vld [tilespmem:s28+$0xFFFFFF50]  }
0xa6: {  	v0 =	vadd.f32 v2, v0  }
0xa7: {  	v2 =	vld [tilespmem:s28+$0xFFFFFF70]  }
0xa8: {  	v0 =	vadd.f32 v3, v0  }
0xa9: {  	v3 =	vld [tilespmem:s28+$0xFFFFFF90]  }
0xaa: {  	v0 =	vadd.f32 v1, v0  }
0xab: {  	v1 =	vld [tilespmem:s28+$0xFFFFFFB0]  }
0xac: {  	v0 =	vadd.f32 v2, v0  }
0xad: {  	v2 =	vld [tilespmem:s28+$0xFFFFFFD0]  }
0xae: {  	v0 =	vadd.f32 v3, v0  }
0xaf: {  	v3 =	vld [tilespmem:s28+$0xFFFFFFF0]  }
0xb0: {  	v0 =	vadd.f32 v1, v0  }
0xb1: {  	v1 =	vld [tilespmem:s28+$0x10]  }
0xb2: {  	v0 =	vadd.f32 v2, v0  }
0xb3: {  	v2 =	vld [tilespmem:s28+$0x30]  }
0xb4: {  	v0 =	vadd.f32 v3, v0  }
0xb5: {  	v3 =	vld [tilespmem:s28+$0x50]  }
0xb6: {  	v0 =	vadd.f32 v1, v0  }
0xb7: {  	v1 =	vld [tilespmem:s28+$0x70]  }
0xb8: {  	v0 =	vadd.f32 v2, v0  }
0xb9: {  	v2 =	vld [tilespmem:s28+$0x90]  }
0xba: {  	v0 =	vadd.f32 v3, v0  }
0xbb: {  	v3 =	vld [tilespmem:s28+$0xB0]  }
0xbc: {  	v0 =	vadd.f32 v1, v0  }
0xbd: {  	v1 =	vld [tilespmem:s28+$0xD0]  }
0xbe: {  	v0 =	vadd.f32 v2, v0  }
0xbf: {  	v2 =	vld [tilespmem:s28+$0xF0]  }
0xc0: {  	v0 =	vadd.f32 v3, v0  }
0xc1: {  	v3 =	vld [tilespmem:s28+$0x110]  }
0xc2: {  	v0 =	vadd.f32 v1, v0  }
0xc3: {  	v1 =	vld [tilespmem:s28+$0x130]  }
0xc4: {  	v0 =	vadd.f32 v2, v0;
	_ =	sdelay $0x1  }
0xc5: {  	v0 =	vadd.f32 v3, v0;
	_ =	sdelay $0x1  }
0xc6: {  	s29 =	simm.s32 $0x80;
	v0 =	vadd.f32 v1, v0  }
.LBB2_2:
0xc7: {  	p0 =	sne.s32 s29, $0x3F80  }
0xc8: {  	s28 =	sadd.s32 $0x280, s28;
	s31 =	smov.u32 s29;
	s29 =	sadd.s32 $0x80, s29  }
0xc9: {  	[tilespmem:s30+$0x14A10] =	vst v0  }
0xca: {  	v0 =	vld [tilespmem:s28+$0xFFFFFEC0]  }
0xcb: {  	v1 =	vld [tilespmem:s28+$0xFFFFFEE0];
	_ =	sdelay $0x1  }
0xcc: {  	v2 =	vld [tilespmem:s28+$0xFFFFFF00];
	_ =	sdelay $0x1  }
0xcd: {  	v3 =	vld [tilespmem:s28+$0xFFFFFF20]  }
0xce: {  	v0 =	vadd.f32 v1, v0  }
0xcf: {  	v1 =	vld [tilespmem:s28+$0xFFFFFF40]  }
0xd0: {  	v0 =	vadd.f32 v2, v0  }
0xd1: {  	v2 =	vld [tilespmem:s28+$0xFFFFFF60]  }
0xd2: {  	v0 =	vadd.f32 v3, v0  }
0xd3: {  	v3 =	vld [tilespmem:s28+$0xFFFFFF80]  }
0xd4: {  	v0 =	vadd.f32 v1, v0  }
0xd5: {  	v1 =	vld [tilespmem:s28+$0xFFFFFFA0]  }
0xd6: {  	v0 =	vadd.f32 v2, v0  }
0xd7: {  	v2 =	vld [tilespmem:s28+$0xFFFFFFC0]  }
0xd8: {  	v0 =	vadd.f32 v3, v0  }
0xd9: {  	v3 =	vld [tilespmem:s28+$0xFFFFFFE0]  }
0xda: {  	v0 =	vadd.f32 v1, v0  }
0xdb: {  	v1 =	vld [tilespmem:s28+$0x0]  }
0xdc: {  	v0 =	vadd.f32 v2, v0  }
0xdd: {  	v2 =	vld [tilespmem:s28+$0x20]  }
0xde: {  	v0 =	vadd.f32 v3, v0  }
0xdf: {  	v3 =	vld [tilespmem:s28+$0x40]  }
0xe0: {  	v0 =	vadd.f32 v1, v0  }
0xe1: {  	v1 =	vld [tilespmem:s28+$0x60]  }
0xe2: {  	v0 =	vadd.f32 v2, v0  }
0xe3: {  	v2 =	vld [tilespmem:s28+$0x80]  }
0xe4: {  	v0 =	vadd.f32 v3, v0  }
0xe5: {  	v3 =	vld [tilespmem:s28+$0xA0]  }
0xe6: {  	v0 =	vadd.f32 v1, v0  }
0xe7: {  	v1 =	vld [tilespmem:s28+$0xC0]  }
0xe8: {  	v0 =	vadd.f32 v2, v0  }
0xe9: {  	v2 =	vld [tilespmem:s28+$0xE0]  }
0xea: {  	v0 =	vadd.f32 v3, v0  }
0xeb: {  	v3 =	vld [tilespmem:s28+$0x100]  }
0xec: {  	v0 =	vadd.f32 v1, v0  }
0xed: {  	v1 =	vld [tilespmem:s28+$0x120]  }
0xee: {  	v0 =	vadd.f32 v2, v0;
	_ =	sdelay $0x1  }
0xef: {  	v0 =	vadd.f32 v3, v0;
	_ =	sdelay $0x1  }
0xf0: {  	v0 =	vadd.f32 v1, v0  }
0xf1: {  	s30 =	sshra.s32 s31, $0x2  }
0xf2: {  	[tilespmem:s30+$0x14A00] =	vst v0  }
0xf3: {  	v0 =	vld [tilespmem:s28+$0xFFFFFED0]  }
0xf4: {  	v1 =	vld [tilespmem:s28+$0xFFFFFEF0]  }
0xf5: {  	v2 =	vld [tilespmem:s28+$0xFFFFFF10];
	_ =	sdelay $0x1  }
0xf6: {  	v3 =	vld [tilespmem:s28+$0xFFFFFF30];
	_ =	sdelay $0x1  }
0xf7: {  	v0 =	vadd.f32 v1, v0;
	v1 =	vld [tilespmem:s28+$0xFFFFFF50];
	_ =	sdelay $0x1  }
0xf8: {  	v0 =	vadd.f32 v2, v0;
	v2 =	vld [tilespmem:s28+$0xFFFFFF70];
	_ =	sdelay $0x1  }
0xf9: {  	v0 =	vadd.f32 v3, v0;
	v3 =	vld [tilespmem:s28+$0xFFFFFF90];
	_ =	sdelay $0x1  }
0xfa: {  	v0 =	vadd.f32 v1, v0;
	v1 =	vld [tilespmem:s28+$0xFFFFFFB0];
	_ =	sdelay $0x1  }
0xfb: {  	v0 =	vadd.f32 v2, v0;
	v2 =	vld [tilespmem:s28+$0xFFFFFFD0];
	_ =	sdelay $0x1  }
0xfc: {  	v0 =	vadd.f32 v3, v0;
	v3 =	vld [tilespmem:s28+$0xFFFFFFF0];
	_ =	sdelay $0x1  }
0xfd: {  	v0 =	vadd.f32 v1, v0;
	v1 =	vld [tilespmem:s28+$0x10];
	_ =	sdelay $0x1  }
0xfe: {  	v0 =	vadd.f32 v2, v0;
	v2 =	vld [tilespmem:s28+$0x30];
	_ =	sdelay $0x1  }
0xff: {  	v0 =	vadd.f32 v3, v0;
	v3 =	vld [tilespmem:s28+$0x50];
	_ =	sdelay $0x1  }
0x100: {  	v0 =	vadd.f32 v1, v0;
	v1 =	vld [tilespmem:s28+$0x70];
	_ =	sdelay $0x1  }
0x101: {  	v0 =	vadd.f32 v2, v0;
	v2 =	vld [tilespmem:s28+$0x90];
	_ =	sdelay $0x1  }
0x102: {  	v0 =	vadd.f32 v3, v0;
	v3 =	vld [tilespmem:s28+$0xB0];
	_ =	sdelay $0x1  }
0x103: {  	v0 =	vadd.f32 v1, v0;
	v1 =	vld [tilespmem:s28+$0xD0];
	_ =	sdelay $0x1  }
0x104: {  	v0 =	vadd.f32 v2, v0;
	v2 =	vld [tilespmem:s28+$0xF0];
	_ =	sdelay $0x1  }
0x105: {  	v0 =	vadd.f32 v3, v0;
	v3 =	vld [tilespmem:s28+$0x110];
	_ =	sdelay $0x1  }
0x106: {  	v0 =	vadd.f32 v1, v0;
	v1 =	vld [tilespmem:s28+$0x130];
	_ =	sdelay $0x1  }
.Ltmp0:
0x107: {  	v0 =	vadd.f32 v2, v0;
	(pc) =	sbr.rel @p0 .LBB2_2-.Ltmp0, $3  }
0x108: {  	_ = 	snop  }
0x109: {  	v0 =	vadd.f32 v3, v0;
	_ =	sdelay $0x1  }
0x10a: {  	v0 =	vadd.f32 v1, v0  }
0x10b: {  	s26 =	sadd.s32 $0x1, s26  }
0x10c: {  	p0 =	sne.s32 s26, s6  }
.Ltmp1:
0x10d: {  	[tilespmem:s30+$0x14A10] =	vst v0;
	(pc) =	sbr.rel @p0 .LBB2_1-.Ltmp1, $4  }
0x10e: {  	[hbm4b:s5+s24] =	stream.strided.scatter [tilespmem:s25], [sflag:$0x2], $0x1000, s8, s24, $0x38;
	[tilespmem:$0x15A00] =	vst v63  }
0x10f: {  	_ =	swait.ge [sflag:s7], $0x1000  }
0x110: {  	[sflag:s7] =	ssyncset.done $0x0  }
0x111: {  	[sflag:s7] =	ssyncadd.s32 $0xFFFFF000  }
0x112: {  	_ =	sfence.sel $0x180000  }
0x113: {  	[bflag:$0x0] =	sbarrier.arrive $0xFFFF  }
0x114: {  	_ =	strace $0x9000004A  }
0x115: {  	s0 =	stileid.u32;
	[bflag:$0x2] =	sbarrier.arrive $0xFFFF  }
0x116: {  	p0 =	sne.s32 s0, $0x0;
	s0 =	rddreg [dreg:$0x2]  }
0x117: {  	s0 =	sadd.s32 @!p0 $0x100000, s0  }
0x118: {  	[sflag:s0] =	ssyncadd.tile.s32 @!p0 $0x1;
	_ =	shalt  }
.Lfunc_end2:
_tile_overlayer_lowered:
.L_overlay_start_2:
0x119: {  	(tag) =	ssettag $0x2  }
0x11a: {  	s0 =	rddreg [dreg:$0x0];
	s2 =	stileid.u32  }
0x11b: {  	s1 =	rddreg [dreg:$0x1];
	p0 =	sne.s32 s2, $0x0  }
0x11c: {  	s3 =	rddreg [dreg:$0x2];
	[bflag:$0x3] =	sbarrier.arrive $0xFFFF;
	s2 =	simm.s32 @!p0 $0x1C02  }
0x11d: {  	[timem:s3], [sflag:s2] =	dma.local @!p0 [hbm:s0], s1  }
0x11e: {  	s0 =	simm.s32 @!p0 $0x2  }
0x11f: {  	_ =	swait.ge @!p0 [sflag:s0], s1  }
0x120: {  	s1 =	ssub.s32 @!p0 $0x0, s1;
	[sflag:s0] =	ssyncset.done @!p0 $0x0  }
0x121: {  	[sflag:s0] =	ssyncadd.s32 @!p0 s1  }
0x122: {  	[bflag:$0x3] =	sbarrier.arrive $0xFFFF  }
0x123: {  	_ =	shalt  }

// kernel: kernel.8.cloned.1.call-start
scs
__scs_entry_jumppad:
0x0: {  	(pc) =	sbr.rel $0x88, $3  }
0x1: {  	(tag) =	ssettag $0x0;
	lr =	simm.s32 $0x1  }
0x2: {  	[smem:$0x3F99] =	sst lr;
	_ =	strace $0xD0000000  }
0x3: {  	_ = 	snop  }
0x4: {  	_ = 	snop  }
0x5: {  	_ = 	snop  }
0x6: {  	_ = 	snop  }
0x7: {  	_ = 	snop  }
__scs_overlays_trampoline_lowered:
0x8: {  	[smem:$0x3FA8] =	sst s0  }
0x9: {  	[smem:$0x3FA9] =	sst s1  }
0xa: {  	[smem:$0x3FAA] =	sst s2  }
0xb: {  	[smem:$0x3FAB] =	sst s3  }
0xc: {  	[smem:$0x3FAC] =	sst s4  }
0xd: {  	[smem:$0x3FAD] =	sst s5  }
0xe: {  	[smem:$0x3FAE] =	sst s6  }
0xf: {  	[smem:$0x3FAF] =	sst s7  }
0x10: {  	[smem:$0x3FB0] =	sst s8  }
0x11: {  	[smem:$0x3FB1] =	sst s9;
	s0 =	simm.s32 @!p0 $0x0  }
0x12: {  	s1 =	sld [smem:$0x3F97];
	s0 =	simm.s32 @p0 $0x1  }
0x13: {  	[smem:$0x3FB2] =	sst s0;
	s0 =	simm.s32 @!p1 $0x0  }
0x14: {  	s2 =	sld [smem:$0x3F96];
	s0 =	simm.s32 @p1 $0x1  }
0x15: {  	[smem:$0x3FB3] =	sst s0;
	s0 =	simm.s32 @!p2 $0x0  }
0x16: {  	s3 =	sld [smem:$0x3FDB];
	s0 =	simm.s32 @p2 $0x1  }
0x17: {  	s4 =	simm.s32 $0x1BF5;
	[smem:$0x3FB5] =	sst s0  }
0x18: {  	s0 =	sld [smem:$0x3F98];
	_ =	swait.ge [sflag:s4], $0x0  }
0x19: {  	s7 =	sld [smem:$0x3F99]  }
0x1a: {  	s8 =	sadd.s32 $0xFFFFE003, lr  }
0x1b: {  	s9 =	sadd.s32 $0xFFFFFEF7, lr;
	s5 =	simm.s32 $0xFFFFFFFF;
	p2 =	slt.u32 s8, $0xFFFFF086  }
0x1c: {  	p1 =	slt.u32 s9, $0xF7A;
	s5 =	simm.s32 @!p2 $0x0  }
0x1d: {  	s5 =	simm.s32 @p1 $0x1;
	p0 =	seq.s32 s7, s2  }
0x1e: {  	s7 =	smul.u32 @!p0 $0xF7A, s2;
	p2 =	seq.s32 @!p0 s5, $0x0  }
0x1f: {  	s9 =	smul.u32 $0xF7A, s1;
	s8 =	simm.s32 @!p0 $0x1BF5;
	p2 =	por !p2, p0  }
0x20: {  	[sflag:s8] =	ssyncset.s32 @!p0 $0xFFFFF086;
	s6 =	sadd.s32 @!p0 s3, s7;
	s7 =	simm.s32 @!p0 $0x108  }
0x21: {  	s3 =	sadd.s32 s3, s9;
	s6 =	sadd.s32 @!p0 $0x88, s6;
	s7 =	simm.s32 @p2 $0x1082  }
0x22: {  	[simem:s7], [sflag:s8] =	dma.local @!p0 [hbm:s6], $0xF7A  }
0x23: {  	s9 =	sor.u32 $0xD0000000, s2;
	s6 =	simm.s32 $0x108;
	_ =	swait.ge @!p0 [sflag:s8], $0x0  }
0x24: {  	s3 =	sadd.s32 $0x88, s3;
	s6 =	simm.s32 @!p1 $0x1082;
	[sflag:s4] =	ssyncset.s32 $0xFFFFF086  }
0x25: {  	[simem:s6], [sflag:s4] =	dma.local [hbm:s3], $0xF7A  }
0x26: {  	[smem:$0x3F99] =	sst s1;
	(tag) =	ssettag s2;
	_ =	strace s9  }
0x27: {  	s1 =	sld [smem:$0x3FA9]  }
0x28: {  	s2 =	sld [smem:$0x3FAA]  }
0x29: {  	s4 =	sld [smem:$0x3FAC]  }
0x2a: {  	p0 =	seq.s32 s5, $0x0;
	s5 =	sld [smem:$0x3FAD]  }
0x2b: {  	s6 =	sld [smem:$0x3FAE]  }
0x2c: {  	s7 =	sld [smem:$0x3FAF]  }
0x2d: {  	s3 =	simm.s32 $0x108;
	s8 =	sld [smem:$0x3FB0]  }
0x2e: {  	s3 =	simm.s32 @!p0 $0x1082;
	s9 =	sld [smem:$0x3FB1]  }
0x2f: {  	lr =	sadd.s32 s0, s3;
	s0 =	sld [smem:$0x3FA8]  }
0x30: {  	s3 =	sld [smem:$0x3FAB]  }
0x31: {  	[smem:$0x3FB4] =	sst s10  }
0x32: {  	s10 =	sld [smem:$0x3FB2];
	_ =	sdelay $0x3  }
0x33: {  	p0 =	seq.s32 s10, $0x1;
	s10 =	sld [smem:$0x3FB4];
	_ =	sdelay $0x3  }
0x34: {  	[smem:$0x3FB4] =	sst s10  }
0x35: {  	s10 =	sld [smem:$0x3FB3];
	_ =	sdelay $0x3  }
0x36: {  	p1 =	seq.s32 s10, $0x1;
	s10 =	sld [smem:$0x3FB4];
	_ =	sdelay $0x3  }
0x37: {  	[smem:$0x3FB4] =	sst s10  }
0x38: {  	s10 =	sld [smem:$0x3FB5]  }
0x39: {  	_ = 	snop;
	(pc) =	sbr.ind lr, $3  }
0x3a: {  	_ = 	snop  }
0x3b: {  	_ = 	snop  }
0x3c: {  	p2 =	seq.s32 s10, $0x1;
	s10 =	sld [smem:$0x3FB4]  }
0x3d: {  	_ =	shalt  }
0x3e: {  	_ =	shalt  }
0x3f: {  	_ =	shalt  }
0x40: {  	_ =	shalt  }
0x41: {  	_ =	shalt  }
0x42: {  	_ =	shalt  }
0x43: {  	_ =	shalt  }
0x44: {  	_ =	shalt  }
0x45: {  	_ =	shalt  }
0x46: {  	_ =	shalt  }
0x47: {  	_ =	shalt  }
0x48: {  	_ =	shalt  }
0x49: {  	_ =	shalt  }
0x4a: {  	_ =	shalt  }
0x4b: {  	_ =	shalt  }
0x4c: {  	_ =	shalt  }
0x4d: {  	_ =	shalt  }
0x4e: {  	_ =	shalt  }
0x4f: {  	_ =	shalt  }
0x50: {  	_ =	shalt  }
0x51: {  	_ =	shalt  }
0x52: {  	_ =	shalt  }
0x53: {  	_ =	shalt  }
0x54: {  	_ =	shalt  }
0x55: {  	_ =	shalt  }
0x56: {  	_ =	shalt  }
0x57: {  	_ =	shalt  }
0x58: {  	_ =	shalt  }
0x59: {  	_ =	shalt  }
0x5a: {  	_ =	shalt  }
0x5b: {  	_ =	shalt  }
0x5c: {  	_ =	shalt  }
0x5d: {  	_ =	shalt  }
0x5e: {  	_ =	shalt  }
0x5f: {  	_ =	shalt  }
0x60: {  	_ =	shalt  }
0x61: {  	_ =	shalt  }
0x62: {  	_ =	shalt  }
0x63: {  	_ =	shalt  }
0x64: {  	_ =	shalt  }
0x65: {  	_ =	shalt  }
0x66: {  	_ =	shalt  }
0x67: {  	_ =	shalt  }
0x68: {  	_ =	shalt  }
0x69: {  	_ =	shalt  }
0x6a: {  	_ =	shalt  }
0x6b: {  	_ =	shalt  }
0x6c: {  	_ =	shalt  }
0x6d: {  	_ =	shalt  }
0x6e: {  	_ =	shalt  }
0x6f: {  	_ =	shalt  }
0x70: {  	_ =	shalt  }
0x71: {  	_ =	shalt  }
0x72: {  	_ =	shalt  }
0x73: {  	_ =	shalt  }
0x74: {  	_ =	shalt  }
0x75: {  	_ =	shalt  }
0x76: {  	_ =	shalt  }
0x77: {  	_ =	shalt  }
0x78: {  	_ =	shalt  }
0x79: {  	_ =	shalt  }
0x7a: {  	_ =	shalt  }
0x7b: {  	_ =	shalt  }
0x7c: {  	_ =	shalt  }
0x7d: {  	_ =	shalt  }
0x7e: {  	_ =	shalt  }
0x7f: {  	_ =	shalt  }
0x80: {  	_ =	shalt  }
0x81: {  	_ =	shalt  }
0x82: {  	_ =	shalt  }
0x83: {  	_ =	shalt  }
0x84: {  	_ =	shalt  }
0x85: {  	_ =	shalt  }
0x86: {  	_ =	shalt  }
0x87: {  	_ =	shalt  }
.Lfunc_end0:
.L_simem_size_0:
called_computation.1_lowered:
.L_overlay_start_0:
0x88: {  	s2 =	sld [smem:$0x3FD9]  }
0x89: {  	s3 =	sld [smem:$0x3FFE];
	_ =	sdelay $0x1  }
0x8a: {  	s1 =	srdreg.scid  }
0x8b: {  	s0 =	sand.u32 $0x1, s1  }
0x8c: {  	s17 =	sshll.u32 s0, $0xA;
	s2 =	sadd.s32 s3, s2  }
0x8d: {  	s2 =	sadd.s32 s2, s17  }
0x8e: {  	[smem:$0x3FC0] =	sst s2  }
0x8f: {  	_ = 	snop  }
0x90: {  	s2 =	sld [smem:$0x3FC9];
	(tm) =	ssettm $0x1  }
0x91: {  	s18 =	sld [smem:$0x3FFB];
	_ =	sdelay $0x3  }
0x92: {  	_ =	strace s18  }
0x93: {  	s3 =	sld [smem:$0x3FFC];
	_ =	sdelay $0x3  }
0x94: {  	_ =	strace s3  }
0x95: {  	s3 =	sld [smem:$0x3FFD];
	_ =	sdelay $0x3  }
0x96: {  	_ =	strace s3  }
0x97: {  	_ =	strace $0x8FFFFFFF  }
0x98: {  	s19 =	sld [smem:$0x3FDB];
	_ =	sdelay $0x1  }
0x99: {  	s4 =	simm.s32 $_scs_section_size  }
0x9a: {  	s5 =	simm.s32 $_size__tile_overlayer_lowered;
	s6 =	simm.s32 $_tile_overlayer_lowered  }
0x9b: {  	s22 =	simm.s32 $0x1BFF;
	s21 =	sshll.u32 s6, $0x1;
	s3 =	sadd.s32 s4, s19  }
0x9c: {  	s7 =	simm.s32 $0x0;
	s20 =	sshll.u32 s5, $0x1;
	s5 =	sadd.s32 s21, s3  }
0x9d: {  	[timem:s7], [sflag:s22] =	dma.local [hbm:s5], s20  }
0x9e: {  	_ =	swait.ge [sflag:s22], s20  }
0x9f: {  	s4 =	ssub.s32 $0x0, s20;
	[sflag:s22] =	ssyncset.done $0x0  }
0xa0: {  	[sflag:s22] =	ssyncadd.s32 s4;
	_ =	sdelay $0x1  }
0xa1: {  	s23 =	simm.s32 $0x1B8B  }
0xa2: {  	_ =	swait.ge [sflag:s23], $0x1  }
0xa3: {  	[sflag:s23] =	ssyncset.done $0x0  }
0xa4: {  	s25 =	simm.s32 $0x1B8E;
	s24 =	sld [smem:$0x3FFE];
	[sflag:s23] =	ssyncadd.s32 $0xFFFFFFFF  }
0xa5: {  	s26 =	simm.s32 $execute0_lowered;
	[smem:$0x3FD2] =	sst s25  }
0xa6: {  	s5 =	sshll.u32 s26, $0x1;
	_ =	strace $0x80000046;
	[dreg:$0x1] =	wrdreg $0xFFFFFFFF  }
0xa7: {  	s28 =	simm.s32 $_size_execute0_lowered;
	s3 =	sadd.s32 s3, s5;
	[dreg:$0x0] =	wrdreg $0x0  }
0xa8: {  	s5 =	sshll.u32 s28, $0x1;
	[dreg:$0x2] =	wrdreg s3  }
0xa9: {  	[dreg:$0x3] =	wrdreg s5  }
0xaa: {  	[dreg:$0x4] =	wrdreg $0xC0  }
0xab: {  	_ =	task [dreg:s7], $0x5FFFF  }
0xac: {  	[dreg:$0x1] =	wrdreg $0xFFFFFFFF  }
0xad: {  	[dreg:$0x0] =	wrdreg $0x60  }
0xae: {  	[dreg:$0x2] =	wrdreg s2  }
0xaf: {  	[dreg:$0x3] =	wrdreg s24  }
0xb0: {  	[dreg:$0x4] =	wrdreg $0xA  }
0xb1: {  	_ =	task.clear_ibuf [dreg:s7], $0x5FFFF;
	_ =	strace $0x90000046  }
0xb2: {  	s29 =	simm.s32 $0xA;
	_ =	strace $0x80000048  }
0xb3: {  	_ =	swait.ge [sflag:s29], $0x1  }
0xb4: {  	[sflag:s29] =	ssyncadd.s32 $0xFFFFFFFF  }
0xb5: {  	_ =	strace $0x90000048  }
0xb6: {  	_ =	sfence  }
0xb7: {  	s30 =	sld [smem:$0x0];
	_ =	sdelay $0x2  }
0xb8: {  	s31 =	sshll.u32 s1, $0xD;
	s1 =	sshrl.u32 s1, $0x2  }
0xb9: {  	s3 =	sand.u32 $0x4000, s31;
	s1 =	sadd.s32 s1, s30  }
0xba: {  	s0 =	sor.u32 s3, s0;
	s1 =	sshll.u32 s1, $0x11  }
0xbb: {  	s0 =	sor.u32 s1, s0  }
0xbc: {  	s0 =	sadd.s32 $0x8F2B, s0  }
0xbd: {  	[sflag:s0] =	ssyncadd.remote.s32 $0x1  }
0xbe: {  	_ =	sfence.sel $0xFFFF  }
0xbf: {  	[dreg:$0x0] =	wrdreg $0xFFFFFFFF;
	(pc) =	sbr.abs _section_cstart, $3  }
0xc0: {  	[dreg:$0x1] =	wrdreg $0xFFFFFFFF  }
0xc1: {  	_ =	task.clear_ibuf [dreg:s7], $0x2FFFF;
	_ =	strace $0x9FFFFFFF  }
0xc2: {  	(tm) =	ssettm $0x7FFFFFFF  }
0xc3: {  	_ =	shalt  }
tec
execute0_lowered:
.L_overlay_start_1:
0x0: {  	(tag) =	ssettag $0x1  }
0x1: {  	s1 =	srdreg.scid  }
0x2: {  	s3 =	rddreg [dreg:$0x0];
	s0 =	stileid.u32  }
0x3: {  	s8 =	rddreg [dreg:$0x1];
	s2 =	simm.s32 $0x0;
	s6 =	sand.u32 $0x1, s1  }
0x4: {  	s4 =	sshll.u32 s0, $0x8;
	[smem:$0x7FF] =	sst s2;
	s5 =	sshll.u32 s6, $0x7  }
0x5: {  	s1 =	rddreg [dreg:$0x2];
	_ =	strace $0x80000047;
	s7 =	sor.u32 s5, s4  }
0x6: {  	s10 =	ssub.s32 $0x2, s6;
	s6 =	simm.s32 $0x80;
	s4 =	sshrl.u32 s7, $0x3  }
0x7: {  	s5 =	sadd.s32 $0x188400, s8;
	s4 =	sadd.s32 s3, s4;
	s3 =	simm.s32 $0x2  }
0x8: {  	[tilespmem:s2], [sflag:$0x2] =	stream.linear.gather [hbm4b:s4+s2], $0x80, $0x38;
	[tilespmem:$0x1080] =	vst v63  }
0x9: {  	s31 =	sshrl.u32 s10, $0x1;
	s9 =	sshll.u32 s7, $0x4;
	_ =	swait.ge [sflag:s3], $0x80  }
0xa: {  	s8 =	sadd.s32 s9, s8;
	s9 =	ssub.s32 s10, s31;
	[sflag:s3] =	ssyncset.done $0x0  }
0xb: {  	s7 =	simm.s32 $0x1;
	s10 =	smax.u32 s9, $0x1;
	[sflag:s3] =	ssyncadd.s32 $0xFFFFFF80  }
0xc: {  	[tilespmem:s6], [sflag:$0x1] =	stream.indirect.gather [hbm4b:s5+s6], $0x20, s2, s6, $0xb8;
	[tilespmem:$0x1080] =	vst v63  }
0xd: {  	p0 =	sne.s32 s10, $0x1;
	_ =	swait.ge [sflag:s7], $0x1000  }
.Ltmp0:
0xe: {  	[sflag:s7] =	ssyncset.done $0x0;
	(pc) =	sbr.rel @!p0 .LBB2_2-.Ltmp0, $4  }
0xf: {  	s8 =	sadd.s32 $0x1800, s8;
	s9 =	simm.s32 $0x20;
	[sflag:s7] =	ssyncadd.s32 $0xFFFFF000  }
0x10: {  	[hbm4b:s8+s9] =	stream.strided.scatter [tilespmem:s6], [sflag:$0x2], $0x1000, s6, s9, $0x38;
	[tilespmem:$0x1080] =	vst v63  }
0x11: {  	_ =	swait.ge [sflag:s3], $0x1000  }
0x12: {  	s10 =	sadd.s32 $0xFFFFFFFF, s10;
	[sflag:s3] =	ssyncset.done $0x0  }
.LBB2_1:
0x13: {  	p0 =	sne.s32 s10, $0x1;
	s10 =	sadd.s32 $0xFFFFFFFF, s10;
	[sflag:s3] =	ssyncadd.s32 $0xFFFFF000  }
0x14: {  	[tilespmem:s2], [sflag:$0x2] =	stream.linear.gather [hbm4b:s4+s2], $0x80, $0x38;
	[tilespmem:$0x1080] =	vst v63  }
0x15: {  	_ =	swait.ge [sflag:s3], $0x80  }
0x16: {  	[sflag:s3] =	ssyncset.done $0x0  }
0x17: {  	[sflag:s3] =	ssyncadd.s32 $0xFFFFFF80  }
0x18: {  	[tilespmem:s6], [sflag:$0x1] =	stream.indirect.gather [hbm4b:s5+s6], $0x20, s2, s6, $0xb8;
	[tilespmem:$0x1080] =	vst v63  }
0x19: {  	_ =	swait.ge [sflag:s7], $0x1000  }
.Ltmp1:
0x1a: {  	[sflag:s7] =	ssyncset.done $0x0;
	(pc) =	sbr.rel @p0 .LBB2_1-.Ltmp1, $4  }
0x1b: {  	[sflag:s7] =	ssyncadd.s32 $0xFFFFF000  }
0x1c: {  	[hbm4b:s8+s9] =	stream.strided.scatter [tilespmem:s6], [sflag:$0x2], $0x1000, s6, s9, $0x38;
	[tilespmem:$0x1080] =	vst v63  }
0x1d: {  	_ =	swait.ge [sflag:s3], $0x1000  }
0x1e: {  	[sflag:s3] =	ssyncset.done $0x0  }
.LBB2_2:
0x1f: {  	[sflag:s3] =	ssyncadd.s32 $0xFFFFF000  }
0x20: {  	_ =	sfence.sel $0x180000  }
0x21: {  	[bflag:$0x0] =	sbarrier.arrive $0xFFFF  }
0x22: {  	p0 =	sne.s32 s0, $0x0;
	_ =	strace $0x90000047  }
0x23: {  	s0 =	sadd.s32 @!p0 $0x100000, s1;
	[bflag:$0x2] =	sbarrier.arrive $0xFFFF  }
0x24: {  	[sflag:s0] =	ssyncadd.tile.s32 @!p0 $0x1;
	_ =	shalt  }
.Lfunc_end2:
_tile_overlayer_lowered:
.L_overlay_start_2:
0x25: {  	(tag) =	ssettag $0x2  }
0x26: {  	s0 =	rddreg [dreg:$0x0];
	s2 =	stileid.u32  }
0x27: {  	s1 =	rddreg [dreg:$0x1];
	p0 =	sne.s32 s2, $0x0  }
0x28: {  	s3 =	rddreg [dreg:$0x2];
	[bflag:$0x3] =	sbarrier.arrive $0xFFFF;
	s2 =	simm.s32 @!p0 $0x1C02  }
0x29: {  	[timem:s3], [sflag:s2] =	dma.local @!p0 [hbm:s0], s1  }
0x2a: {  	s0 =	simm.s32 @!p0 $0x2  }
0x2b: {  	_ =	swait.ge @!p0 [sflag:s0], s1  }
0x2c: {  	s1 =	ssub.s32 @!p0 $0x0, s1;
	[sflag:s0] =	ssyncset.done @!p0 $0x0  }
0x2d: {  	[sflag:s0] =	ssyncadd.s32 @!p0 s1  }
0x2e: {  	[bflag:$0x3] =	sbarrier.arrive $0xFFFF  }
0x2f: {  	_ =	shalt  }

</sc_bundles>
